<compile_context>
chip_gen: v7x
topology: tpu7x:2x2x1
jax: 0.10.2.dev20260603
libtpu: 0.0.44.dev20260713+nightly
codegen_flags: <defaults>
</compile_context>

<pallas_src>
import functools

import jax
import jax.numpy as jnp
import numpy as np
from jax import lax
from jax.experimental import pallas as pl
from jax.experimental.pallas import tpu as pltpu
from jax.experimental.pallas import tpu_sc as plsc

N = 10000
E = 320000
D = 128
NS = 16
EPS = E // NS
NP = 10240
NDUMP = 192
DRPS = NP // NS
CHUNK = 400
DHALF = 320
NCH = EPS // CHUNK
SCHUNK = 160
NCHS = EPS // SCHUNK

_mesh = plsc.VectorSubcoreMesh(core_axis_name="c", subcore_axis_name="s")


_BN = 1000


def _prep_body(x_ref, w1_ref, w2_ref, h0_ref, h1_ref, st_ref):
    g = pl.program_id(0)
    sign = jnp.where(g == 0, jnp.float32(1.0), jnp.float32(-1.0))
    w = 0.5 * (w1_ref[...] + w2_ref[...])
    d = 0.5 * (h0_ref[:, 0:1] + h1_ref[:, 0:1])
    dinv = jnp.where(d > 0, 1.0 / jnp.sqrt(jnp.where(d > 0, d, 1.0)), 0.0)
    z = jnp.dot(x_ref[...], w, preferred_element_type=jnp.float32)
    st_ref[...] = (sign * dinv) * z


_prep = pl.pallas_call(
    _prep_body,
    grid=(2, N // _BN),
    in_specs=[
        pl.BlockSpec((_BN, D), lambda g, i: (i, 0)),
        pl.BlockSpec((D, D), lambda g, i: (0, 0)),
        pl.BlockSpec((D, D), lambda g, i: (0, 0)),
        pl.BlockSpec((_BN, D), lambda g, i: (i, 0)),
        pl.BlockSpec((_BN, D), lambda g, i: (i, 0)),
    ],
    out_specs=pl.BlockSpec((_BN, D), lambda g, i: (g * (N // _BN) + i, 0)),
    out_shape=jax.ShapeDtypeStruct((2 * N, D), jnp.float32),
)


@functools.partial(
    pl.kernel,
    mesh=_mesh,
    out_type=[
        jax.ShapeDtypeStruct((NP, D), jnp.float32),
        jax.ShapeDtypeStruct((NP, D), jnp.float32),
    ],
    scratch_types=[
        pltpu.VMEM((SCHUNK,), jnp.int32),
        pltpu.VMEM((SCHUNK,), jnp.int32),
        pltpu.VMEM((SCHUNK,), jnp.int32),
        pltpu.VMEM((SCHUNK,), jnp.int32),
        pltpu.VMEM((SCHUNK, D), jnp.float32),
        pltpu.VMEM((SCHUNK, D), jnp.float32),
        pltpu.VMEM_SHARED((NP, D), jnp.float32),
        pltpu.SemaphoreType.DMA,
    ],
)
def _spmm_kernel(s1_hbm, s2_hbm, t1_hbm, t2_hbm,
                 st_hbm, zer_hbm, o0_hbm, o1_hbm,
                 s1v, s2v, t1v, t2v, buf1, buf2, acc, sem):
    c = lax.axis_index("c")
    s = lax.axis_index("s")
    r0 = s * DRPS
    pltpu.sync_copy(zer_hbm, buf1)
    for j in range(DRPS // SCHUNK):
        pltpu.sync_copy(buf1, acc.at[pl.ds(r0 + j * SCHUNK, SCHUNK)])
    plsc.subcore_barrier()
    base = c * E + s * EPS

    @pl.loop(0, NCHS)
    def _(k):
        off0 = s * EPS + k * SCHUNK
        off = base + k * SCHUNK
        pltpu.sync_copy(s1_hbm.at[pl.ds(off0, SCHUNK)], s1v)
        pltpu.sync_copy(s2_hbm.at[pl.ds(off, SCHUNK)], s2v)
        pltpu.sync_copy(t1_hbm.at[pl.ds(off, SCHUNK)], t1v)
        pltpu.sync_copy(t2_hbm.at[pl.ds(off, SCHUNK)], t2v)
        pltpu.async_copy(st_hbm.at[s1v], buf1, sem).wait()
        pltpu.sync_copy(buf1, acc.at[t1v], add=True)
        pltpu.async_copy(st_hbm.at[s2v], buf2, sem).wait()
        pltpu.sync_copy(buf2, acc.at[t2v], add=True)

    plsc.subcore_barrier()
    for j in range(DRPS // SCHUNK):
        q0 = r0 + j * SCHUNK

        @pl.when(c == 0)
        def _():
            pltpu.sync_copy(acc.at[pl.ds(q0, SCHUNK)], buf1)
            pltpu.sync_copy(buf1, o0_hbm.at[pl.ds(q0, SCHUNK)])

        @pl.when(c == 1)
        def _():
            pltpu.sync_copy(acc.at[pl.ds(q0, SCHUNK)], buf1)
            pltpu.sync_copy(buf1, o1_hbm.at[pl.ds(q0, SCHUNK)])


@functools.partial(
    pl.kernel,
    mesh=_mesh,
    out_type=[
        jax.ShapeDtypeStruct((NP, D), jnp.float32),
        jax.ShapeDtypeStruct((NP, D), jnp.float32),
    ],
    scratch_types=[
        pltpu.VMEM((SCHUNK,), jnp.int32),
        pltpu.VMEM((SCHUNK,), jnp.int32),
        pltpu.VMEM((SCHUNK, D), jnp.float32),
        pltpu.VMEM_SHARED((NP, D), jnp.float32),
    ],
)
def _degones_kernel(t1_hbm, t2_hbm, ones_hbm, zer_hbm, o0_hbm, o1_hbm,
                    t1v, t2v, buf1, acc):
    c = lax.axis_index("c")
    s = lax.axis_index("s")
    r0 = s * DRPS
    pltpu.sync_copy(zer_hbm, buf1)
    for j in range(DRPS // SCHUNK):
        pltpu.sync_copy(buf1, acc.at[pl.ds(r0 + j * SCHUNK, SCHUNK)])
    pltpu.sync_copy(ones_hbm, buf1)
    plsc.subcore_barrier()
    base = c * E + s * EPS

    @pl.loop(0, NCHS)
    def _(k):
        off = base + k * SCHUNK
        pltpu.sync_copy(t1_hbm.at[pl.ds(off, SCHUNK)], t1v)
        pltpu.sync_copy(t2_hbm.at[pl.ds(off, SCHUNK)], t2v)
        pltpu.sync_copy(buf1, acc.at[t1v], add=True)
        pltpu.sync_copy(buf1, acc.at[t2v], add=True)

    plsc.subcore_barrier()
    for j in range(DRPS // SCHUNK):
        q0 = r0 + j * SCHUNK

        @pl.when(c == 0)
        def _():
            pltpu.sync_copy(acc.at[pl.ds(q0, SCHUNK)], buf1)
            pltpu.sync_copy(buf1, o0_hbm.at[pl.ds(q0, SCHUNK)])

        @pl.when(c == 1)
        def _():
            pltpu.sync_copy(acc.at[pl.ds(q0, SCHUNK)], buf1)
            pltpu.sync_copy(buf1, o1_hbm.at[pl.ds(q0, SCHUNK)])


def _epi_body(ar_ref, ai_ref, h0_ref, h1_ref, b1_ref, b2_ref, o_ref):
    d = 0.5 * (h0_ref[:, 0:1] + h1_ref[:, 0:1])
    dinv = jnp.where(d > 0, 1.0 / jnp.sqrt(jnp.where(d > 0, d, 1.0)), 0.0)
    sc = 0.5 * dinv
    bc = 0.5 * (b1_ref[...] + b2_ref[...])
    o_ref[:, :D] = sc * ar_ref[...] + bc
    o_ref[:, D:] = sc * ai_ref[...] + bc


_epi = pl.pallas_call(
    _epi_body,
    grid=(N // _BN,),
    in_specs=[
        pl.BlockSpec((_BN, D), lambda i: (i, 0)),
        pl.BlockSpec((_BN, D), lambda i: (i, 0)),
        pl.BlockSpec((_BN, D), lambda i: (i, 0)),
        pl.BlockSpec((_BN, D), lambda i: (i, 0)),
        pl.BlockSpec((1, D), lambda i: (0, 0)),
        pl.BlockSpec((1, D), lambda i: (0, 0)),
    ],
    out_specs=pl.BlockSpec((_BN, 2 * D), lambda i: (i, 0)),
    out_shape=jax.ShapeDtypeStruct((N, 2 * D), jnp.float32),
)


def kernel(x, edge_index, W1, b1, W2, b2):
    row = edge_index[0].astype(jnp.int32)
    col = edge_index[1].astype(jnp.int32)

    keys = row * N + col
    skeys = jnp.sort(keys)
    rkeys = col * N + row
    pos = jnp.clip(jnp.searchsorted(skeys, rkeys), 0, E - 1)
    rev = skeys[pos] == rkeys

    dump = (N + (jnp.arange(E, dtype=jnp.int32) % NDUMP)).astype(jnp.int32)
    s1 = col
    s20 = row
    s21 = row + N
    t10 = jnp.where(rev, row, dump)
    t20 = jnp.where(rev, col, dump)
    t11 = jnp.where(rev, dump, row)
    t21 = jnp.where(rev, dump, col)

    zeros128 = jnp.zeros((SCHUNK, D), jnp.float32)
    ones128 = jnp.ones((SCHUNK, D), jnp.float32)
    s2 = jnp.concatenate([s20, s21])
    t1 = jnp.concatenate([t10, t11])
    t2 = jnp.concatenate([t20, t21])

    h0, h1 = _degones_kernel(t1, t2, ones128, zeros128)
    st = _prep(x.astype(jnp.float32), W1, W2, h0, h1)
    o0, o1 = _spmm_kernel(s1, s2, t1, t2, st, zeros128)
    out = _epi(o0, o1, h0, h1,
               b1.reshape(1, D).astype(jnp.float32),
               b2.reshape(1, D).astype(jnp.float32))
    return out

# --- scband reference (transcript-rebuilt; emitter-appended) ---
"""Pipeline reference for scband-dir-mag-gcnconv-52939766890537 (READ-ONLY COPY).

The authoritative reference and input builder live on the scoring server;
editing this copy changes nothing except your own understanding.
"""

import jax, jax.numpy as jnp
import numpy as np

N = 10000
E = 320000
D_IN = 128
D_OUT = 128
ALPHA = 0.5
Q = 0.25


def setup_inputs(seed: int = 0) -> dict:
    key = jax.random.key(seed)
    k1, k2, k3, k4 = jax.random.split(key, 4)
    x = jax.random.normal(k1, (N, D_IN), dtype=jnp.float32)
    edge_index = jax.random.randint(k2, (2, E), 0, N)
    W1 = jax.random.normal(k3, (D_IN, D_OUT), dtype=jnp.float32) * (1.0 / np.sqrt(D_IN))
    b1 = jnp.zeros((D_OUT,), dtype=jnp.float32)
    W2 = jax.random.normal(k4, (D_IN, D_OUT), dtype=jnp.float32) * (1.0 / np.sqrt(D_IN))
    b2 = jnp.zeros((D_OUT,), dtype=jnp.float32)
    return {"x": x, "edge_index": edge_index, "W1": W1, "b1": b1, "W2": W2, "b2": b2}


def reference(x, edge_index, W1, b1, W2, b2):
    # MagNet normalized magnetic adjacency, built sparsely from the edge list:
    # A_s = 0.5*(A + A^T), D_s = rowsum(A_s), Theta = 2*pi*q*(A - A^T)
    # H = D_s^{-1/2} A_s D_s^{-1/2} * exp(i*Theta)
    row = edge_index[0]
    col = edge_index[1]
    # detect reciprocal edges via sorted-key binary search (keys fit int32: N*N = 1e8)
    keys = row * N + col
    skeys = jnp.sort(keys)
    rkeys = col * N + row
    pos = jnp.clip(jnp.searchsorted(skeys, rkeys), 0, E - 1)
    rev = (skeys[pos] == rkeys).astype(jnp.float32)
    theta = 2.0 * np.pi * Q * (1.0 - rev)  # Theta(u,v); Theta(v,u) = -Theta(u,v)
    ones = jnp.ones((E,), dtype=jnp.float32)
    deg_out = jnp.zeros((N,), dtype=jnp.float32).at[row].add(ones)
    deg_in = jnp.zeros((N,), dtype=jnp.float32).at[col].add(ones)
    d = 0.5 * (deg_out + deg_in)
    dinv = jnp.where(d > 0, 1.0 / jnp.sqrt(jnp.where(d > 0, d, 1.0)), 0.0)
    w = 0.5 * dinv[row] * dinv[col]  # each directed edge contributes 0.5 to A_s(u,v) and A_s(v,u)
    cr = w * jnp.cos(theta)
    ci = w * jnp.sin(theta)
    # y = H @ x  (x is real, lifted to complex with zero imag part)
    yr = jnp.zeros((N, D_IN), dtype=jnp.float32)
    yr = yr.at[row].add(cr[:, None] * x[col])
    yr = yr.at[col].add(cr[:, None] * x[row])
    yi = jnp.zeros((N, D_IN), dtype=jnp.float32)
    yi = yi.at[row].add(ci[:, None] * x[col])
    yi = yi.at[col].add(-ci[:, None] * x[row])
    # x_out = alpha*(lin1(y.real) + i*lin1(y.imag)) + (1-alpha)*(lin2(y.real) + i*lin2(y.imag))
    out_r = ALPHA * (yr @ W1 + b1) + (1.0 - ALPHA) * (yr @ W2 + b2)
    out_i = ALPHA * (yi @ W1 + b1) + (1.0 - ALPHA) * (yi @ W2 + b2)
    return jnp.concatenate([out_r, out_i], axis=1)

if __name__ == "__main__":
    import jax
    _d = setup_inputs()
    print(jax.jit(kernel)(*tuple(_d.values())))

</pallas_src>

<mosaic_0001>
#map = affine_map<(d0, d1) -> (0)>
#map1 = affine_map<(d0, d1) -> (0, 0)>
module attributes {stable_mosaic.version = 14 : i64} {
  func.func @_degones_kernel(%arg0: i32, %arg1: i32, %arg2: memref<640000xi32, #tpu.memory_space<hbm>>, %arg3: memref<640000xi32, #tpu.memory_space<hbm>>, %arg4: memref<160x128xf32, #tpu.memory_space<hbm>>, %arg5: memref<160x128xf32, #tpu.memory_space<hbm>>, %arg6: memref<10240x128xf32, #tpu.memory_space<hbm>>, %arg7: memref<10240x128xf32, #tpu.memory_space<hbm>>, %arg8: memref<160xi32, #tpu.memory_space<vmem>>, %arg9: memref<160xi32, #tpu.memory_space<vmem>>, %arg10: memref<160x128xf32, #tpu.memory_space<vmem>>, %arg11: memref<10240x128xf32, #tpu.memory_space<vmem_shared>>) attributes {dimension_semantics = [#tpu.dimension_semantics<core_parallel>, #tpu.dimension_semantics<subcore_parallel>], iteration_bounds = array<i64: 2, 16>, scalar_prefetch = 0 : i64, scratch_operands = 4 : i64, tpu.core_type = #tpu.core_type<sc_vector_subcore>, window_params = [{transform_indices = #map}, {transform_indices = #map}, {transform_indices = #map1}, {transform_indices = #map1}, {transform_indices = #map1}, {transform_indices = #map1}]} {
    %mul3A = arith.constant 640 : i32
    %mul3A_0 = arith.muli %arg1, %mul3A : i32
    "tpu.region"() ({
      %run_scoped3A = tpu.sem_alloc : memref<!tpu.dma_semaphore, #tpu.memory_space<semaphore_mem>>
      tpu.enqueue_dma source(%arg5 : memref<160x128xf32, #tpu.memory_space<hbm>>) target(%arg10 : memref<160x128xf32, #tpu.memory_space<vmem>>) target_semaphore(%run_scoped3A : memref<!tpu.dma_semaphore, #tpu.memory_space<semaphore_mem>>)
      tpu.wait_dma2 semaphore(%run_scoped3A : memref<!tpu.dma_semaphore, #tpu.memory_space<semaphore_mem>>) src(%arg5 : memref<160x128xf32, #tpu.memory_space<hbm>>) dst(%arg10 : memref<160x128xf32, #tpu.memory_space<vmem>>)
      tpu.yield
    }) : () -> ()
    %add3A = arith.constant 0 : i32
    %add3A_1 = arith.addi %mul3A_0, %add3A : i32
    "tpu.region"() ({
      %run_scoped3A = tpu.sem_alloc : memref<!tpu.dma_semaphore, #tpu.memory_space<semaphore_mem>>
      %dma_start3A = arith.constant 0 : i32
      %dma_start3A_63 = tpu.memref_slice %arg11[%add3A_1, %dma_start3A] : memref<10240x128xf32, #tpu.memory_space<vmem_shared>> -> memref<160x128xf32, #tpu.memory_space<vmem_shared>>
      %dma_start3A_64 = arith.constant 0 : i32
      %dma_start3A_65 = tpu.memref_slice %arg11[%add3A_1, %dma_start3A_64] : memref<10240x128xf32, #tpu.memory_space<vmem_shared>> -> memref<160x128xf32, #tpu.memory_space<vmem_shared>>
      tpu.enqueue_dma source(%arg10 : memref<160x128xf32, #tpu.memory_space<vmem>>) target(%dma_start3A_65 : memref<160x128xf32, #tpu.memory_space<vmem_shared>>) target_semaphore(%run_scoped3A : memref<!tpu.dma_semaphore, #tpu.memory_space<semaphore_mem>>)
      %dma_wait3A = arith.constant 0 : i32
      %dma_wait3A_66 = tpu.memref_slice %arg11[%add3A_1, %dma_wait3A] : memref<10240x128xf32, #tpu.memory_space<vmem_shared>> -> memref<160x128xf32, #tpu.memory_space<vmem_shared>>
      %dma_wait3A_67 = arith.constant 0 : i32
      %dma_wait3A_68 = tpu.memref_slice %arg11[%add3A_1, %dma_wait3A_67] : memref<10240x128xf32, #tpu.memory_space<vmem_shared>> -> memref<160x128xf32, #tpu.memory_space<vmem_shared>>
      tpu.wait_dma2 semaphore(%run_scoped3A : memref<!tpu.dma_semaphore, #tpu.memory_space<semaphore_mem>>) src(%arg10 : memref<160x128xf32, #tpu.memory_space<vmem>>) dst(%dma_wait3A_68 : memref<160x128xf32, #tpu.memory_space<vmem_shared>>)
      tpu.yield
    }) : () -> ()
    %add3A_2 = arith.constant 160 : i32
    %add3A_3 = arith.addi %mul3A_0, %add3A_2 : i32
    "tpu.region"() ({
      %run_scoped3A = tpu.sem_alloc : memref<!tpu.dma_semaphore, #tpu.memory_space<semaphore_mem>>
      %dma_start3A = arith.constant 0 : i32
      %dma_start3A_63 = tpu.memref_slice %arg11[%add3A_3, %dma_start3A] : memref<10240x128xf32, #tpu.memory_space<vmem_shared>> -> memref<160x128xf32, #tpu.memory_space<vmem_shared>>
      %dma_start3A_64 = arith.constant 0 : i32
      %dma_start3A_65 = tpu.memref_slice %arg11[%add3A_3, %dma_start3A_64] : memref<10240x128xf32, #tpu.memory_space<vmem_shared>> -> memref<160x128xf32, #tpu.memory_space<vmem_shared>>
      tpu.enqueue_dma source(%arg10 : memref<160x128xf32, #tpu.memory_space<vmem>>) target(%dma_start3A_65 : memref<160x128xf32, #tpu.memory_space<vmem_shared>>) target_semaphore(%run_scoped3A : memref<!tpu.dma_semaphore, #tpu.memory_space<semaphore_mem>>)
      %dma_wait3A = arith.constant 0 : i32
      %dma_wait3A_66 = tpu.memref_slice %arg11[%add3A_3, %dma_wait3A] : memref<10240x128xf32, #tpu.memory_space<vmem_shared>> -> memref<160x128xf32, #tpu.memory_space<vmem_shared>>
      %dma_wait3A_67 = arith.constant 0 : i32
      %dma_wait3A_68 = tpu.memref_slice %arg11[%add3A_3, %dma_wait3A_67] : memref<10240x128xf32, #tpu.memory_space<vmem_shared>> -> memref<160x128xf32, #tpu.memory_space<vmem_shared>>
      tpu.wait_dma2 semaphore(%run_scoped3A : memref<!tpu.dma_semaphore, #tpu.memory_space<semaphore_mem>>) src(%arg10 : memref<160x128xf32, #tpu.memory_space<vmem>>) dst(%dma_wait3A_68 : memref<160x128xf32, #tpu.memory_space<vmem_shared>>)
      tpu.yield
    }) : () -> ()
    %add3A_4 = arith.constant 320 : i32
    %add3A_5 = arith.addi %mul3A_0, %add3A_4 : i32
    "tpu.region"() ({
      %run_scoped3A = tpu.sem_alloc : memref<!tpu.dma_semaphore, #tpu.memory_space<semaphore_mem>>
      %dma_start3A = arith.constant 0 : i32
      %dma_start3A_63 = tpu.memref_slice %arg11[%add3A_5, %dma_start3A] : memref<10240x128xf32, #tpu.memory_space<vmem_shared>> -> memref<160x128xf32, #tpu.memory_space<vmem_shared>>
      %dma_start3A_64 = arith.constant 0 : i32
      %dma_start3A_65 = tpu.memref_slice %arg11[%add3A_5, %dma_start3A_64] : memref<10240x128xf32, #tpu.memory_space<vmem_shared>> -> memref<160x128xf32, #tpu.memory_space<vmem_shared>>
      tpu.enqueue_dma source(%arg10 : memref<160x128xf32, #tpu.memory_space<vmem>>) target(%dma_start3A_65 : memref<160x128xf32, #tpu.memory_space<vmem_shared>>) target_semaphore(%run_scoped3A : memref<!tpu.dma_semaphore, #tpu.memory_space<semaphore_mem>>)
      %dma_wait3A = arith.constant 0 : i32
      %dma_wait3A_66 = tpu.memref_slice %arg11[%add3A_5, %dma_wait3A] : memref<10240x128xf32, #tpu.memory_space<vmem_shared>> -> memref<160x128xf32, #tpu.memory_space<vmem_shared>>
      %dma_wait3A_67 = arith.constant 0 : i32
      %dma_wait3A_68 = tpu.memref_slice %arg11[%add3A_5, %dma_wait3A_67] : memref<10240x128xf32, #tpu.memory_space<vmem_shared>> -> memref<160x128xf32, #tpu.memory_space<vmem_shared>>
      tpu.wait_dma2 semaphore(%run_scoped3A : memref<!tpu.dma_semaphore, #tpu.memory_space<semaphore_mem>>) src(%arg10 : memref<160x128xf32, #tpu.memory_space<vmem>>) dst(%dma_wait3A_68 : memref<160x128xf32, #tpu.memory_space<vmem_shared>>)
      tpu.yield
    }) : () -> ()
    %add3A_6 = arith.constant 480 : i32
    %add3A_7 = arith.addi %mul3A_0, %add3A_6 : i32
    "tpu.region"() ({
      %run_scoped3A = tpu.sem_alloc : memref<!tpu.dma_semaphore, #tpu.memory_space<semaphore_mem>>
      %dma_start3A = arith.constant 0 : i32
      %dma_start3A_63 = tpu.memref_slice %arg11[%add3A_7, %dma_start3A] : memref<10240x128xf32, #tpu.memory_space<vmem_shared>> -> memref<160x128xf32, #tpu.memory_space<vmem_shared>>
      %dma_start3A_64 = arith.constant 0 : i32
      %dma_start3A_65 = tpu.memref_slice %arg11[%add3A_7, %dma_start3A_64] : memref<10240x128xf32, #tpu.memory_space<vmem_shared>> -> memref<160x128xf32, #tpu.memory_space<vmem_shared>>
      tpu.enqueue_dma source(%arg10 : memref<160x128xf32, #tpu.memory_space<vmem>>) target(%dma_start3A_65 : memref<160x128xf32, #tpu.memory_space<vmem_shared>>) target_semaphore(%run_scoped3A : memref<!tpu.dma_semaphore, #tpu.memory_space<semaphore_mem>>)
      %dma_wait3A = arith.constant 0 : i32
      %dma_wait3A_66 = tpu.memref_slice %arg11[%add3A_7, %dma_wait3A] : memref<10240x128xf32, #tpu.memory_space<vmem_shared>> -> memref<160x128xf32, #tpu.memory_space<vmem_shared>>
      %dma_wait3A_67 = arith.constant 0 : i32
      %dma_wait3A_68 = tpu.memref_slice %arg11[%add3A_7, %dma_wait3A_67] : memref<10240x128xf32, #tpu.memory_space<vmem_shared>> -> memref<160x128xf32, #tpu.memory_space<vmem_shared>>
      tpu.wait_dma2 semaphore(%run_scoped3A : memref<!tpu.dma_semaphore, #tpu.memory_space<semaphore_mem>>) src(%arg10 : memref<160x128xf32, #tpu.memory_space<vmem>>) dst(%dma_wait3A_68 : memref<160x128xf32, #tpu.memory_space<vmem_shared>>)
      tpu.yield
    }) : () -> ()
    "tpu.region"() ({
      %run_scoped3A = tpu.sem_alloc : memref<!tpu.dma_semaphore, #tpu.memory_space<semaphore_mem>>
      tpu.enqueue_dma source(%arg4 : memref<160x128xf32, #tpu.memory_space<hbm>>) target(%arg10 : memref<160x128xf32, #tpu.memory_space<vmem>>) target_semaphore(%run_scoped3A : memref<!tpu.dma_semaphore, #tpu.memory_space<semaphore_mem>>)
      tpu.wait_dma2 semaphore(%run_scoped3A : memref<!tpu.dma_semaphore, #tpu.memory_space<semaphore_mem>>) src(%arg4 : memref<160x128xf32, #tpu.memory_space<hbm>>) dst(%arg10 : memref<160x128xf32, #tpu.memory_space<vmem>>)
      tpu.yield
    }) : () -> ()
    %barrier3A = arith.constant 0 : index
    tpu.barrier barrier_id(%barrier3A)
    %mul3A_8 = arith.constant 320000 : i32
    %mul3A_9 = arith.muli %arg0, %mul3A_8 : i32
    %mul3A_10 = arith.constant 20000 : i32
    %mul3A_11 = arith.muli %arg1, %mul3A_10 : i32
    %add3A_12 = arith.addi %mul3A_9, %mul3A_11 : i32
    %scan3A = arith.constant 0 : i32
    %scan3A_13 = arith.constant 125 : i32
    %scan3A_14 = arith.addi %scan3A, %scan3A_13 : i32
    %scan3A_15 = arith.constant 1 : i32
    scf.for %scan3A_63 = %scan3A to %scan3A_14 step %scan3A_15  : i32 {
      %mul3A_64 = arith.constant 1 : i32
      %mul3A_65 = arith.muli %scan3A_63, %mul3A_64 : i32
      %add3A_66 = arith.constant 0 : i32
      %add3A_67 = arith.addi %add3A_66, %mul3A_65 : i32
      %mul3A_68 = arith.constant 160 : i32
      %mul3A_69 = arith.muli %add3A_67, %mul3A_68 : i32
      %add3A_70 = arith.addi %add3A_12, %mul3A_69 : i32
      "tpu.region"() ({
        %run_scoped3A = tpu.sem_alloc : memref<!tpu.dma_semaphore, #tpu.memory_space<semaphore_mem>>
        %dma_start3A = tpu.memref_slice %arg2[%add3A_70] : memref<640000xi32, #tpu.memory_space<hbm>> -> memref<160xi32, #tpu.memory_space<hbm>>
        %dma_start3A_71 = tpu.memref_slice %arg2[%add3A_70] : memref<640000xi32, #tpu.memory_space<hbm>> -> memref<160xi32, #tpu.memory_space<hbm>>
        tpu.enqueue_dma source(%dma_start3A_71 : memref<160xi32, #tpu.memory_space<hbm>>) target(%arg8 : memref<160xi32, #tpu.memory_space<vmem>>) target_semaphore(%run_scoped3A : memref<!tpu.dma_semaphore, #tpu.memory_space<semaphore_mem>>)
        %dma_wait3A = tpu.memref_slice %arg2[%add3A_70] : memref<640000xi32, #tpu.memory_space<hbm>> -> memref<160xi32, #tpu.memory_space<hbm>>
        %dma_wait3A_72 = tpu.memref_slice %arg2[%add3A_70] : memref<640000xi32, #tpu.memory_space<hbm>> -> memref<160xi32, #tpu.memory_space<hbm>>
        tpu.wait_dma2 semaphore(%run_scoped3A : memref<!tpu.dma_semaphore, #tpu.memory_space<semaphore_mem>>) src(%dma_wait3A_72 : memref<160xi32, #tpu.memory_space<hbm>>) dst(%arg8 : memref<160xi32, #tpu.memory_space<vmem>>)
        tpu.yield
      }) : () -> ()
      "tpu.region"() ({
        %run_scoped3A = tpu.sem_alloc : memref<!tpu.dma_semaphore, #tpu.memory_space<semaphore_mem>>
        %dma_start3A = tpu.memref_slice %arg3[%add3A_70] : memref<640000xi32, #tpu.memory_space<hbm>> -> memref<160xi32, #tpu.memory_space<hbm>>
        %dma_start3A_71 = tpu.memref_slice %arg3[%add3A_70] : memref<640000xi32, #tpu.memory_space<hbm>> -> memref<160xi32, #tpu.memory_space<hbm>>
        tpu.enqueue_dma source(%dma_start3A_71 : memref<160xi32, #tpu.memory_space<hbm>>) target(%arg9 : memref<160xi32, #tpu.memory_space<vmem>>) target_semaphore(%run_scoped3A : memref<!tpu.dma_semaphore, #tpu.memory_space<semaphore_mem>>)
        %dma_wait3A = tpu.memref_slice %arg3[%add3A_70] : memref<640000xi32, #tpu.memory_space<hbm>> -> memref<160xi32, #tpu.memory_space<hbm>>
        %dma_wait3A_72 = tpu.memref_slice %arg3[%add3A_70] : memref<640000xi32, #tpu.memory_space<hbm>> -> memref<160xi32, #tpu.memory_space<hbm>>
        tpu.wait_dma2 semaphore(%run_scoped3A : memref<!tpu.dma_semaphore, #tpu.memory_space<semaphore_mem>>) src(%dma_wait3A_72 : memref<160xi32, #tpu.memory_space<hbm>>) dst(%arg9 : memref<160xi32, #tpu.memory_space<vmem>>)
        tpu.yield
      }) : () -> ()
      "tpu.region"() ({
        %run_scoped3A = tpu.sem_alloc : memref<!tpu.dma_semaphore, #tpu.memory_space<semaphore_mem>>
        %dma_start3A = arith.constant 0 : i32
        %dma_start3A_71 = arith.constant 0 : i32
        %dma_start3A_72 = tpu.memref_slice %arg11[%dma_start3A, %dma_start3A_71] : memref<10240x128xf32, #tpu.memory_space<vmem_shared>> -> memref<10240x128xf32, #tpu.memory_space<vmem_shared>>
        tpu.enqueue_indirect_dma source(%arg10 : memref<160x128xf32, #tpu.memory_space<vmem>>) target(%dma_start3A_72 : memref<10240x128xf32, #tpu.memory_space<vmem_shared>>) offsets(%arg8 : memref<160xi32, #tpu.memory_space<vmem>>) semaphore(%run_scoped3A : memref<!tpu.dma_semaphore, #tpu.memory_space<semaphore_mem>>) {add = true}
        %dma_wait3A = arith.constant 0 : i32
        %dma_wait3A_73 = arith.constant 0 : i32
        %dma_wait3A_74 = tpu.memref_slice %arg11[%dma_wait3A, %dma_wait3A_73] : memref<10240x128xf32, #tpu.memory_space<vmem_shared>> -> memref<10240x128xf32, #tpu.memory_space<vmem_shared>>
        tpu.wait_indirect_dma semaphore(%run_scoped3A : memref<!tpu.dma_semaphore, #tpu.memory_space<semaphore_mem>>) src(%arg10 : memref<160x128xf32, #tpu.memory_space<vmem>>) dst(%dma_wait3A_74 : memref<10240x128xf32, #tpu.memory_space<vmem_shared>>)
        tpu.yield
      }) : () -> ()
      "tpu.region"() ({
        %run_scoped3A = tpu.sem_alloc : memref<!tpu.dma_semaphore, #tpu.memory_space<semaphore_mem>>
        %dma_start3A = arith.constant 0 : i32
        %dma_start3A_71 = arith.constant 0 : i32
        %dma_start3A_72 = tpu.memref_slice %arg11[%dma_start3A, %dma_start3A_71] : memref<10240x128xf32, #tpu.memory_space<vmem_shared>> -> memref<10240x128xf32, #tpu.memory_space<vmem_shared>>
        tpu.enqueue_indirect_dma source(%arg10 : memref<160x128xf32, #tpu.memory_space<vmem>>) target(%dma_start3A_72 : memref<10240x128xf32, #tpu.memory_space<vmem_shared>>) offsets(%arg9 : memref<160xi32, #tpu.memory_space<vmem>>) semaphore(%run_scoped3A : memref<!tpu.dma_semaphore, #tpu.memory_space<semaphore_mem>>) {add = true}
        %dma_wait3A = arith.constant 0 : i32
        %dma_wait3A_73 = arith.constant 0 : i32
        %dma_wait3A_74 = tpu.memref_slice %arg11[%dma_wait3A, %dma_wait3A_73] : memref<10240x128xf32, #tpu.memory_space<vmem_shared>> -> memref<10240x128xf32, #tpu.memory_space<vmem_shared>>
        tpu.wait_indirect_dma semaphore(%run_scoped3A : memref<!tpu.dma_semaphore, #tpu.memory_space<semaphore_mem>>) src(%arg10 : memref<160x128xf32, #tpu.memory_space<vmem>>) dst(%dma_wait3A_74 : memref<10240x128xf32, #tpu.memory_space<vmem_shared>>)
        tpu.yield
      }) : () -> ()
    }
    %scan3A_16 = arith.constant 125 : i32
    %barrier3A_17 = arith.constant 0 : index
    tpu.barrier barrier_id(%barrier3A_17)
    %add3A_18 = arith.constant 0 : i32
    %add3A_19 = arith.addi %mul3A_0, %add3A_18 : i32
    %eq3A = arith.constant 0 : i32
    %eq3A_20 = arith.cmpi eq, %arg0, %eq3A : i32
    %convert_element_type3A = arith.extui %eq3A_20 : i1 to i32
    %cond3A = arith.constant 0 : i32
    %cond3A_21 = arith.cmpi ne, %convert_element_type3A, %cond3A : i32
    scf.if %cond3A_21 {
      "tpu.region"() ({
        %run_scoped3A = tpu.sem_alloc : memref<!tpu.dma_semaphore, #tpu.memory_space<semaphore_mem>>
        %dma_start3A = arith.constant 0 : i32
        %dma_start3A_63 = tpu.memref_slice %arg11[%add3A_19, %dma_start3A] : memref<10240x128xf32, #tpu.memory_space<vmem_shared>> -> memref<160x128xf32, #tpu.memory_space<vmem_shared>>
        %dma_start3A_64 = arith.constant 0 : i32
        %dma_start3A_65 = tpu.memref_slice %arg11[%add3A_19, %dma_start3A_64] : memref<10240x128xf32, #tpu.memory_space<vmem_shared>> -> memref<160x128xf32, #tpu.memory_space<vmem_shared>>
        tpu.enqueue_dma source(%dma_start3A_65 : memref<160x128xf32, #tpu.memory_space<vmem_shared>>) target(%arg10 : memref<160x128xf32, #tpu.memory_space<vmem>>) target_semaphore(%run_scoped3A : memref<!tpu.dma_semaphore, #tpu.memory_space<semaphore_mem>>)
        %dma_wait3A = arith.constant 0 : i32
        %dma_wait3A_66 = tpu.memref_slice %arg11[%add3A_19, %dma_wait3A] : memref<10240x128xf32, #tpu.memory_space<vmem_shared>> -> memref<160x128xf32, #tpu.memory_space<vmem_shared>>
        %dma_wait3A_67 = arith.constant 0 : i32
        %dma_wait3A_68 = tpu.memref_slice %arg11[%add3A_19, %dma_wait3A_67] : memref<10240x128xf32, #tpu.memory_space<vmem_shared>> -> memref<160x128xf32, #tpu.memory_space<vmem_shared>>
        tpu.wait_dma2 semaphore(%run_scoped3A : memref<!tpu.dma_semaphore, #tpu.memory_space<semaphore_mem>>) src(%dma_wait3A_68 : memref<160x128xf32, #tpu.memory_space<vmem_shared>>) dst(%arg10 : memref<160x128xf32, #tpu.memory_space<vmem>>)
        tpu.yield
      }) : () -> ()
      "tpu.region"() ({
        %run_scoped3A = tpu.sem_alloc : memref<!tpu.dma_semaphore, #tpu.memory_space<semaphore_mem>>
        %dma_start3A = arith.constant 0 : i32
        %dma_start3A_63 = tpu.memref_slice %arg6[%add3A_19, %dma_start3A] : memref<10240x128xf32, #tpu.memory_space<hbm>> -> memref<160x128xf32, #tpu.memory_space<hbm>>
        %dma_start3A_64 = arith.constant 0 : i32
        %dma_start3A_65 = tpu.memref_slice %arg6[%add3A_19, %dma_start3A_64] : memref<10240x128xf32, #tpu.memory_space<hbm>> -> memref<160x128xf32, #tpu.memory_space<hbm>>
        tpu.enqueue_dma source(%arg10 : memref<160x128xf32, #tpu.memory_space<vmem>>) target(%dma_start3A_65 : memref<160x128xf32, #tpu.memory_space<hbm>>) target_semaphore(%run_scoped3A : memref<!tpu.dma_semaphore, #tpu.memory_space<semaphore_mem>>)
        %dma_wait3A = arith.constant 0 : i32
        %dma_wait3A_66 = tpu.memref_slice %arg6[%add3A_19, %dma_wait3A] : memref<10240x128xf32, #tpu.memory_space<hbm>> -> memref<160x128xf32, #tpu.memory_space<hbm>>
        %dma_wait3A_67 = arith.constant 0 : i32
        %dma_wait3A_68 = tpu.memref_slice %arg6[%add3A_19, %dma_wait3A_67] : memref<10240x128xf32, #tpu.memory_space<hbm>> -> memref<160x128xf32, #tpu.memory_space<hbm>>
        tpu.wait_dma2 semaphore(%run_scoped3A : memref<!tpu.dma_semaphore, #tpu.memory_space<semaphore_mem>>) src(%arg10 : memref<160x128xf32, #tpu.memory_space<vmem>>) dst(%dma_wait3A_68 : memref<160x128xf32, #tpu.memory_space<hbm>>)
        tpu.yield
      }) : () -> ()
    } else {
    }
    %eq3A_22 = arith.constant 1 : i32
    %eq3A_23 = arith.cmpi eq, %arg0, %eq3A_22 : i32
    %convert_element_type3A_24 = arith.extui %eq3A_23 : i1 to i32
    %cond3A_25 = arith.constant 0 : i32
    %cond3A_26 = arith.cmpi ne, %convert_element_type3A_24, %cond3A_25 : i32
    scf.if %cond3A_26 {
      "tpu.region"() ({
        %run_scoped3A = tpu.sem_alloc : memref<!tpu.dma_semaphore, #tpu.memory_space<semaphore_mem>>
        %dma_start3A = arith.constant 0 : i32
        %dma_start3A_63 = tpu.memref_slice %arg11[%add3A_19, %dma_start3A] : memref<10240x128xf32, #tpu.memory_space<vmem_shared>> -> memref<160x128xf32, #tpu.memory_space<vmem_shared>>
        %dma_start3A_64 = arith.constant 0 : i32
        %dma_start3A_65 = tpu.memref_slice %arg11[%add3A_19, %dma_start3A_64] : memref<10240x128xf32, #tpu.memory_space<vmem_shared>> -> memref<160x128xf32, #tpu.memory_space<vmem_shared>>
        tpu.enqueue_dma source(%dma_start3A_65 : memref<160x128xf32, #tpu.memory_space<vmem_shared>>) target(%arg10 : memref<160x128xf32, #tpu.memory_space<vmem>>) target_semaphore(%run_scoped3A : memref<!tpu.dma_semaphore, #tpu.memory_space<semaphore_mem>>)
        %dma_wait3A = arith.constant 0 : i32
        %dma_wait3A_66 = tpu.memref_slice %arg11[%add3A_19, %dma_wait3A] : memref<10240x128xf32, #tpu.memory_space<vmem_shared>> -> memref<160x128xf32, #tpu.memory_space<vmem_shared>>
        %dma_wait3A_67 = arith.constant 0 : i32
        %dma_wait3A_68 = tpu.memref_slice %arg11[%add3A_19, %dma_wait3A_67] : memref<10240x128xf32, #tpu.memory_space<vmem_shared>> -> memref<160x128xf32, #tpu.memory_space<vmem_shared>>
        tpu.wait_dma2 semaphore(%run_scoped3A : memref<!tpu.dma_semaphore, #tpu.memory_space<semaphore_mem>>) src(%dma_wait3A_68 : memref<160x128xf32, #tpu.memory_space<vmem_shared>>) dst(%arg10 : memref<160x128xf32, #tpu.memory_space<vmem>>)
        tpu.yield
      }) : () -> ()
      "tpu.region"() ({
        %run_scoped3A = tpu.sem_alloc : memref<!tpu.dma_semaphore, #tpu.memory_space<semaphore_mem>>
        %dma_start3A = arith.constant 0 : i32
        %dma_start3A_63 = tpu.memref_slice %arg7[%add3A_19, %dma_start3A] : memref<10240x128xf32, #tpu.memory_space<hbm>> -> memref<160x128xf32, #tpu.memory_space<hbm>>
        %dma_start3A_64 = arith.constant 0 : i32
        %dma_start3A_65 = tpu.memref_slice %arg7[%add3A_19, %dma_start3A_64] : memref<10240x128xf32, #tpu.memory_space<hbm>> -> memref<160x128xf32, #tpu.memory_space<hbm>>
        tpu.enqueue_dma source(%arg10 : memref<160x128xf32, #tpu.memory_space<vmem>>) target(%dma_start3A_65 : memref<160x128xf32, #tpu.memory_space<hbm>>) target_semaphore(%run_scoped3A : memref<!tpu.dma_semaphore, #tpu.memory_space<semaphore_mem>>)
        %dma_wait3A = arith.constant 0 : i32
        %dma_wait3A_66 = tpu.memref_slice %arg7[%add3A_19, %dma_wait3A] : memref<10240x128xf32, #tpu.memory_space<hbm>> -> memref<160x128xf32, #tpu.memory_space<hbm>>
        %dma_wait3A_67 = arith.constant 0 : i32
        %dma_wait3A_68 = tpu.memref_slice %arg7[%add3A_19, %dma_wait3A_67] : memref<10240x128xf32, #tpu.memory_space<hbm>> -> memref<160x128xf32, #tpu.memory_space<hbm>>
        tpu.wait_dma2 semaphore(%run_scoped3A : memref<!tpu.dma_semaphore, #tpu.memory_space<semaphore_mem>>) src(%arg10 : memref<160x128xf32, #tpu.memory_space<vmem>>) dst(%dma_wait3A_68 : memref<160x128xf32, #tpu.memory_space<hbm>>)
        tpu.yield
      }) : () -> ()
    } else {
    }
    %add3A_27 = arith.constant 160 : i32
    %add3A_28 = arith.addi %mul3A_0, %add3A_27 : i32
    %eq3A_29 = arith.constant 0 : i32
    %eq3A_30 = arith.cmpi eq, %arg0, %eq3A_29 : i32
    %convert_element_type3A_31 = arith.extui %eq3A_30 : i1 to i32
    %cond3A_32 = arith.constant 0 : i32
    %cond3A_33 = arith.cmpi ne, %convert_element_type3A_31, %cond3A_32 : i32
    scf.if %cond3A_33 {
      "tpu.region"() ({
        %run_scoped3A = tpu.sem_alloc : memref<!tpu.dma_semaphore, #tpu.memory_space<semaphore_mem>>
        %dma_start3A = arith.constant 0 : i32
        %dma_start3A_63 = tpu.memref_slice %arg11[%add3A_28, %dma_start3A] : memref<10240x128xf32, #tpu.memory_space<vmem_shared>> -> memref<160x128xf32, #tpu.memory_space<vmem_shared>>
        %dma_start3A_64 = arith.constant 0 : i32
        %dma_start3A_65 = tpu.memref_slice %arg11[%add3A_28, %dma_start3A_64] : memref<10240x128xf32, #tpu.memory_space<vmem_shared>> -> memref<160x128xf32, #tpu.memory_space<vmem_shared>>
        tpu.enqueue_dma source(%dma_start3A_65 : memref<160x128xf32, #tpu.memory_space<vmem_shared>>) target(%arg10 : memref<160x128xf32, #tpu.memory_space<vmem>>) target_semaphore(%run_scoped3A : memref<!tpu.dma_semaphore, #tpu.memory_space<semaphore_mem>>)
        %dma_wait3A = arith.constant 0 : i32
        %dma_wait3A_66 = tpu.memref_slice %arg11[%add3A_28, %dma_wait3A] : memref<10240x128xf32, #tpu.memory_space<vmem_shared>> -> memref<160x128xf32, #tpu.memory_space<vmem_shared>>
        %dma_wait3A_67 = arith.constant 0 : i32
        %dma_wait3A_68 = tpu.memref_slice %arg11[%add3A_28, %dma_wait3A_67] : memref<10240x128xf32, #tpu.memory_space<vmem_shared>> -> memref<160x128xf32, #tpu.memory_space<vmem_shared>>
        tpu.wait_dma2 semaphore(%run_scoped3A : memref<!tpu.dma_semaphore, #tpu.memory_space<semaphore_mem>>) src(%dma_wait3A_68 : memref<160x128xf32, #tpu.memory_space<vmem_shared>>) dst(%arg10 : memref<160x128xf32, #tpu.memory_space<vmem>>)
        tpu.yield
      }) : () -> ()
      "tpu.region"() ({
        %run_scoped3A = tpu.sem_alloc : memref<!tpu.dma_semaphore, #tpu.memory_space<semaphore_mem>>
        %dma_start3A = arith.constant 0 : i32
        %dma_start3A_63 = tpu.memref_slice %arg6[%add3A_28, %dma_start3A] : memref<10240x128xf32, #tpu.memory_space<hbm>> -> memref<160x128xf32, #tpu.memory_space<hbm>>
        %dma_start3A_64 = arith.constant 0 : i32
        %dma_start3A_65 = tpu.memref_slice %arg6[%add3A_28, %dma_start3A_64] : memref<10240x128xf32, #tpu.memory_space<hbm>> -> memref<160x128xf32, #tpu.memory_space<hbm>>
        tpu.enqueue_dma source(%arg10 : memref<160x128xf32, #tpu.memory_space<vmem>>) target(%dma_start3A_65 : memref<160x128xf32, #tpu.memory_space<hbm>>) target_semaphore(%run_scoped3A : memref<!tpu.dma_semaphore, #tpu.memory_space<semaphore_mem>>)
        %dma_wait3A = arith.constant 0 : i32
        %dma_wait3A_66 = tpu.memref_slice %arg6[%add3A_28, %dma_wait3A] : memref<10240x128xf32, #tpu.memory_space<hbm>> -> memref<160x128xf32, #tpu.memory_space<hbm>>
        %dma_wait3A_67 = arith.constant 0 : i32
        %dma_wait3A_68 = tpu.memref_slice %arg6[%add3A_28, %dma_wait3A_67] : memref<10240x128xf32, #tpu.memory_space<hbm>> -> memref<160x128xf32, #tpu.memory_space<hbm>>
        tpu.wait_dma2 semaphore(%run_scoped3A : memref<!tpu.dma_semaphore, #tpu.memory_space<semaphore_mem>>) src(%arg10 : memref<160x128xf32, #tpu.memory_space<vmem>>) dst(%dma_wait3A_68 : memref<160x128xf32, #tpu.memory_space<hbm>>)
        tpu.yield
      }) : () -> ()
    } else {
    }
    %eq3A_34 = arith.constant 1 : i32
    %eq3A_35 = arith.cmpi eq, %arg0, %eq3A_34 : i32
    %convert_element_type3A_36 = arith.extui %eq3A_35 : i1 to i32
    %cond3A_37 = arith.constant 0 : i32
    %cond3A_38 = arith.cmpi ne, %convert_element_type3A_36, %cond3A_37 : i32
    scf.if %cond3A_38 {
      "tpu.region"() ({
        %run_scoped3A = tpu.sem_alloc : memref<!tpu.dma_semaphore, #tpu.memory_space<semaphore_mem>>
        %dma_start3A = arith.constant 0 : i32
        %dma_start3A_63 = tpu.memref_slice %arg11[%add3A_28, %dma_start3A] : memref<10240x128xf32, #tpu.memory_space<vmem_shared>> -> memref<160x128xf32, #tpu.memory_space<vmem_shared>>
        %dma_start3A_64 = arith.constant 0 : i32
        %dma_start3A_65 = tpu.memref_slice %arg11[%add3A_28, %dma_start3A_64] : memref<10240x128xf32, #tpu.memory_space<vmem_shared>> -> memref<160x128xf32, #tpu.memory_space<vmem_shared>>
        tpu.enqueue_dma source(%dma_start3A_65 : memref<160x128xf32, #tpu.memory_space<vmem_shared>>) target(%arg10 : memref<160x128xf32, #tpu.memory_space<vmem>>) target_semaphore(%run_scoped3A : memref<!tpu.dma_semaphore, #tpu.memory_space<semaphore_mem>>)
        %dma_wait3A = arith.constant 0 : i32
        %dma_wait3A_66 = tpu.memref_slice %arg11[%add3A_28, %dma_wait3A] : memref<10240x128xf32, #tpu.memory_space<vmem_shared>> -> memref<160x128xf32, #tpu.memory_space<vmem_shared>>
        %dma_wait3A_67 = arith.constant 0 : i32
        %dma_wait3A_68 = tpu.memref_slice %arg11[%add3A_28, %dma_wait3A_67] : memref<10240x128xf32, #tpu.memory_space<vmem_shared>> -> memref<160x128xf32, #tpu.memory_space<vmem_shared>>
        tpu.wait_dma2 semaphore(%run_scoped3A : memref<!tpu.dma_semaphore, #tpu.memory_space<semaphore_mem>>) src(%dma_wait3A_68 : memref<160x128xf32, #tpu.memory_space<vmem_shared>>) dst(%arg10 : memref<160x128xf32, #tpu.memory_space<vmem>>)
        tpu.yield
      }) : () -> ()
      "tpu.region"() ({
        %run_scoped3A = tpu.sem_alloc : memref<!tpu.dma_semaphore, #tpu.memory_space<semaphore_mem>>
        %dma_start3A = arith.constant 0 : i32
        %dma_start3A_63 = tpu.memref_slice %arg7[%add3A_28, %dma_start3A] : memref<10240x128xf32, #tpu.memory_space<hbm>> -> memref<160x128xf32, #tpu.memory_space<hbm>>
        %dma_start3A_64 = arith.constant 0 : i32
        %dma_start3A_65 = tpu.memref_slice %arg7[%add3A_28, %dma_start3A_64] : memref<10240x128xf32, #tpu.memory_space<hbm>> -> memref<160x128xf32, #tpu.memory_space<hbm>>
        tpu.enqueue_dma source(%arg10 : memref<160x128xf32, #tpu.memory_space<vmem>>) target(%dma_start3A_65 : memref<160x128xf32, #tpu.memory_space<hbm>>) target_semaphore(%run_scoped3A : memref<!tpu.dma_semaphore, #tpu.memory_space<semaphore_mem>>)
        %dma_wait3A = arith.constant 0 : i32
        %dma_wait3A_66 = tpu.memref_slice %arg7[%add3A_28, %dma_wait3A] : memref<10240x128xf32, #tpu.memory_space<hbm>> -> memref<160x128xf32, #tpu.memory_space<hbm>>
        %dma_wait3A_67 = arith.constant 0 : i32
        %dma_wait3A_68 = tpu.memref_slice %arg7[%add3A_28, %dma_wait3A_67] : memref<10240x128xf32, #tpu.memory_space<hbm>> -> memref<160x128xf32, #tpu.memory_space<hbm>>
        tpu.wait_dma2 semaphore(%run_scoped3A : memref<!tpu.dma_semaphore, #tpu.memory_space<semaphore_mem>>) src(%arg10 : memref<160x128xf32, #tpu.memory_space<vmem>>) dst(%dma_wait3A_68 : memref<160x128xf32, #tpu.memory_space<hbm>>)
        tpu.yield
      }) : () -> ()
    } else {
    }
    %add3A_39 = arith.constant 320 : i32
    %add3A_40 = arith.addi %mul3A_0, %add3A_39 : i32
    %eq3A_41 = arith.constant 0 : i32
    %eq3A_42 = arith.cmpi eq, %arg0, %eq3A_41 : i32
    %convert_element_type3A_43 = arith.extui %eq3A_42 : i1 to i32
    %cond3A_44 = arith.constant 0 : i32
    %cond3A_45 = arith.cmpi ne, %convert_element_type3A_43, %cond3A_44 : i32
    scf.if %cond3A_45 {
      "tpu.region"() ({
        %run_scoped3A = tpu.sem_alloc : memref<!tpu.dma_semaphore, #tpu.memory_space<semaphore_mem>>
        %dma_start3A = arith.constant 0 : i32
        %dma_start3A_63 = tpu.memref_slice %arg11[%add3A_40, %dma_start3A] : memref<10240x128xf32, #tpu.memory_space<vmem_shared>> -> memref<160x128xf32, #tpu.memory_space<vmem_shared>>
        %dma_start3A_64 = arith.constant 0 : i32
        %dma_start3A_65 = tpu.memref_slice %arg11[%add3A_40, %dma_start3A_64] : memref<10240x128xf32, #tpu.memory_space<vmem_shared>> -> memref<160x128xf32, #tpu.memory_space<vmem_shared>>
        tpu.enqueue_dma source(%dma_start3A_65 : memref<160x128xf32, #tpu.memory_space<vmem_shared>>) target(%arg10 : memref<160x128xf32, #tpu.memory_space<vmem>>) target_semaphore(%run_scoped3A : memref<!tpu.dma_semaphore, #tpu.memory_space<semaphore_mem>>)
        %dma_wait3A = arith.constant 0 : i32
        %dma_wait3A_66 = tpu.memref_slice %arg11[%add3A_40, %dma_wait3A] : memref<10240x128xf32, #tpu.memory_space<vmem_shared>> -> memref<160x128xf32, #tpu.memory_space<vmem_shared>>
        %dma_wait3A_67 = arith.constant 0 : i32
        %dma_wait3A_68 = tpu.memref_slice %arg11[%add3A_40, %dma_wait3A_67] : memref<10240x128xf32, #tpu.memory_space<vmem_shared>> -> memref<160x128xf32, #tpu.memory_space<vmem_shared>>
        tpu.wait_dma2 semaphore(%run_scoped3A : memref<!tpu.dma_semaphore, #tpu.memory_space<semaphore_mem>>) src(%dma_wait3A_68 : memref<160x128xf32, #tpu.memory_space<vmem_shared>>) dst(%arg10 : memref<160x128xf32, #tpu.memory_space<vmem>>)
        tpu.yield
      }) : () -> ()
      "tpu.region"() ({
        %run_scoped3A = tpu.sem_alloc : memref<!tpu.dma_semaphore, #tpu.memory_space<semaphore_mem>>
        %dma_start3A = arith.constant 0 : i32
        %dma_start3A_63 = tpu.memref_slice %arg6[%add3A_40, %dma_start3A] : memref<10240x128xf32, #tpu.memory_space<hbm>> -> memref<160x128xf32, #tpu.memory_space<hbm>>
        %dma_start3A_64 = arith.constant 0 : i32
        %dma_start3A_65 = tpu.memref_slice %arg6[%add3A_40, %dma_start3A_64] : memref<10240x128xf32, #tpu.memory_space<hbm>> -> memref<160x128xf32, #tpu.memory_space<hbm>>
        tpu.enqueue_dma source(%arg10 : memref<160x128xf32, #tpu.memory_space<vmem>>) target(%dma_start3A_65 : memref<160x128xf32, #tpu.memory_space<hbm>>) target_semaphore(%run_scoped3A : memref<!tpu.dma_semaphore, #tpu.memory_space<semaphore_mem>>)
        %dma_wait3A = arith.constant 0 : i32
        %dma_wait3A_66 = tpu.memref_slice %arg6[%add3A_40, %dma_wait3A] : memref<10240x128xf32, #tpu.memory_space<hbm>> -> memref<160x128xf32, #tpu.memory_space<hbm>>
        %dma_wait3A_67 = arith.constant 0 : i32
        %dma_wait3A_68 = tpu.memref_slice %arg6[%add3A_40, %dma_wait3A_67] : memref<10240x128xf32, #tpu.memory_space<hbm>> -> memref<160x128xf32, #tpu.memory_space<hbm>>
        tpu.wait_dma2 semaphore(%run_scoped3A : memref<!tpu.dma_semaphore, #tpu.memory_space<semaphore_mem>>) src(%arg10 : memref<160x128xf32, #tpu.memory_space<vmem>>) dst(%dma_wait3A_68 : memref<160x128xf32, #tpu.memory_space<hbm>>)
        tpu.yield
      }) : () -> ()
    } else {
    }
    %eq3A_46 = arith.constant 1 : i32
    %eq3A_47 = arith.cmpi eq, %arg0, %eq3A_46 : i32
    %convert_element_type3A_48 = arith.extui %eq3A_47 : i1 to i32
    %cond3A_49 = arith.constant 0 : i32
    %cond3A_50 = arith.cmpi ne, %convert_element_type3A_48, %cond3A_49 : i32
    scf.if %cond3A_50 {
      "tpu.region"() ({
        %run_scoped3A = tpu.sem_alloc : memref<!tpu.dma_semaphore, #tpu.memory_space<semaphore_mem>>
        %dma_start3A = arith.constant 0 : i32
        %dma_start3A_63 = tpu.memref_slice %arg11[%add3A_40, %dma_start3A] : memref<10240x128xf32, #tpu.memory_space<vmem_shared>> -> memref<160x128xf32, #tpu.memory_space<vmem_shared>>
        %dma_start3A_64 = arith.constant 0 : i32
        %dma_start3A_65 = tpu.memref_slice %arg11[%add3A_40, %dma_start3A_64] : memref<10240x128xf32, #tpu.memory_space<vmem_shared>> -> memref<160x128xf32, #tpu.memory_space<vmem_shared>>
        tpu.enqueue_dma source(%dma_start3A_65 : memref<160x128xf32, #tpu.memory_space<vmem_shared>>) target(%arg10 : memref<160x128xf32, #tpu.memory_space<vmem>>) target_semaphore(%run_scoped3A : memref<!tpu.dma_semaphore, #tpu.memory_space<semaphore_mem>>)
        %dma_wait3A = arith.constant 0 : i32
        %dma_wait3A_66 = tpu.memref_slice %arg11[%add3A_40, %dma_wait3A] : memref<10240x128xf32, #tpu.memory_space<vmem_shared>> -> memref<160x128xf32, #tpu.memory_space<vmem_shared>>
        %dma_wait3A_67 = arith.constant 0 : i32
        %dma_wait3A_68 = tpu.memref_slice %arg11[%add3A_40, %dma_wait3A_67] : memref<10240x128xf32, #tpu.memory_space<vmem_shared>> -> memref<160x128xf32, #tpu.memory_space<vmem_shared>>
        tpu.wait_dma2 semaphore(%run_scoped3A : memref<!tpu.dma_semaphore, #tpu.memory_space<semaphore_mem>>) src(%dma_wait3A_68 : memref<160x128xf32, #tpu.memory_space<vmem_shared>>) dst(%arg10 : memref<160x128xf32, #tpu.memory_space<vmem>>)
        tpu.yield
      }) : () -> ()
      "tpu.region"() ({
        %run_scoped3A = tpu.sem_alloc : memref<!tpu.dma_semaphore, #tpu.memory_space<semaphore_mem>>
        %dma_start3A = arith.constant 0 : i32
        %dma_start3A_63 = tpu.memref_slice %arg7[%add3A_40, %dma_start3A] : memref<10240x128xf32, #tpu.memory_space<hbm>> -> memref<160x128xf32, #tpu.memory_space<hbm>>
        %dma_start3A_64 = arith.constant 0 : i32
        %dma_start3A_65 = tpu.memref_slice %arg7[%add3A_40, %dma_start3A_64] : memref<10240x128xf32, #tpu.memory_space<hbm>> -> memref<160x128xf32, #tpu.memory_space<hbm>>
        tpu.enqueue_dma source(%arg10 : memref<160x128xf32, #tpu.memory_space<vmem>>) target(%dma_start3A_65 : memref<160x128xf32, #tpu.memory_space<hbm>>) target_semaphore(%run_scoped3A : memref<!tpu.dma_semaphore, #tpu.memory_space<semaphore_mem>>)
        %dma_wait3A = arith.constant 0 : i32
        %dma_wait3A_66 = tpu.memref_slice %arg7[%add3A_40, %dma_wait3A] : memref<10240x128xf32, #tpu.memory_space<hbm>> -> memref<160x128xf32, #tpu.memory_space<hbm>>
        %dma_wait3A_67 = arith.constant 0 : i32
        %dma_wait3A_68 = tpu.memref_slice %arg7[%add3A_40, %dma_wait3A_67] : memref<10240x128xf32, #tpu.memory_space<hbm>> -> memref<160x128xf32, #tpu.memory_space<hbm>>
        tpu.wait_dma2 semaphore(%run_scoped3A : memref<!tpu.dma_semaphore, #tpu.memory_space<semaphore_mem>>) src(%arg10 : memref<160x128xf32, #tpu.memory_space<vmem>>) dst(%dma_wait3A_68 : memref<160x128xf32, #tpu.memory_space<hbm>>)
        tpu.yield
      }) : () -> ()
    } else {
    }
    %add3A_51 = arith.constant 480 : i32
    %add3A_52 = arith.addi %mul3A_0, %add3A_51 : i32
    %eq3A_53 = arith.constant 0 : i32
    %eq3A_54 = arith.cmpi eq, %arg0, %eq3A_53 : i32
    %convert_element_type3A_55 = arith.extui %eq3A_54 : i1 to i32
    %cond3A_56 = arith.constant 0 : i32
    %cond3A_57 = arith.cmpi ne, %convert_element_type3A_55, %cond3A_56 : i32
    scf.if %cond3A_57 {
      "tpu.region"() ({
        %run_scoped3A = tpu.sem_alloc : memref<!tpu.dma_semaphore, #tpu.memory_space<semaphore_mem>>
        %dma_start3A = arith.constant 0 : i32
        %dma_start3A_63 = tpu.memref_slice %arg11[%add3A_52, %dma_start3A] : memref<10240x128xf32, #tpu.memory_space<vmem_shared>> -> memref<160x128xf32, #tpu.memory_space<vmem_shared>>
        %dma_start3A_64 = arith.constant 0 : i32
        %dma_start3A_65 = tpu.memref_slice %arg11[%add3A_52, %dma_start3A_64] : memref<10240x128xf32, #tpu.memory_space<vmem_shared>> -> memref<160x128xf32, #tpu.memory_space<vmem_shared>>
        tpu.enqueue_dma source(%dma_start3A_65 : memref<160x128xf32, #tpu.memory_space<vmem_shared>>) target(%arg10 : memref<160x128xf32, #tpu.memory_space<vmem>>) target_semaphore(%run_scoped3A : memref<!tpu.dma_semaphore, #tpu.memory_space<semaphore_mem>>)
        %dma_wait3A = arith.constant 0 : i32
        %dma_wait3A_66 = tpu.memref_slice %arg11[%add3A_52, %dma_wait3A] : memref<10240x128xf32, #tpu.memory_space<vmem_shared>> -> memref<160x128xf32, #tpu.memory_space<vmem_shared>>
        %dma_wait3A_67 = arith.constant 0 : i32
        %dma_wait3A_68 = tpu.memref_slice %arg11[%add3A_52, %dma_wait3A_67] : memref<10240x128xf32, #tpu.memory_space<vmem_shared>> -> memref<160x128xf32, #tpu.memory_space<vmem_shared>>
        tpu.wait_dma2 semaphore(%run_scoped3A : memref<!tpu.dma_semaphore, #tpu.memory_space<semaphore_mem>>) src(%dma_wait3A_68 : memref<160x128xf32, #tpu.memory_space<vmem_shared>>) dst(%arg10 : memref<160x128xf32, #tpu.memory_space<vmem>>)
        tpu.yield
      }) : () -> ()
      "tpu.region"() ({
        %run_scoped3A = tpu.sem_alloc : memref<!tpu.dma_semaphore, #tpu.memory_space<semaphore_mem>>
        %dma_start3A = arith.constant 0 : i32
        %dma_start3A_63 = tpu.memref_slice %arg6[%add3A_52, %dma_start3A] : memref<10240x128xf32, #tpu.memory_space<hbm>> -> memref<160x128xf32, #tpu.memory_space<hbm>>
        %dma_start3A_64 = arith.constant 0 : i32
        %dma_start3A_65 = tpu.memref_slice %arg6[%add3A_52, %dma_start3A_64] : memref<10240x128xf32, #tpu.memory_space<hbm>> -> memref<160x128xf32, #tpu.memory_space<hbm>>
        tpu.enqueue_dma source(%arg10 : memref<160x128xf32, #tpu.memory_space<vmem>>) target(%dma_start3A_65 : memref<160x128xf32, #tpu.memory_space<hbm>>) target_semaphore(%run_scoped3A : memref<!tpu.dma_semaphore, #tpu.memory_space<semaphore_mem>>)
        %dma_wait3A = arith.constant 0 : i32
        %dma_wait3A_66 = tpu.memref_slice %arg6[%add3A_52, %dma_wait3A] : memref<10240x128xf32, #tpu.memory_space<hbm>> -> memref<160x128xf32, #tpu.memory_space<hbm>>
        %dma_wait3A_67 = arith.constant 0 : i32
        %dma_wait3A_68 = tpu.memref_slice %arg6[%add3A_52, %dma_wait3A_67] : memref<10240x128xf32, #tpu.memory_space<hbm>> -> memref<160x128xf32, #tpu.memory_space<hbm>>
        tpu.wait_dma2 semaphore(%run_scoped3A : memref<!tpu.dma_semaphore, #tpu.memory_space<semaphore_mem>>) src(%arg10 : memref<160x128xf32, #tpu.memory_space<vmem>>) dst(%dma_wait3A_68 : memref<160x128xf32, #tpu.memory_space<hbm>>)
        tpu.yield
      }) : () -> ()
    } else {
    }
    %eq3A_58 = arith.constant 1 : i32
    %eq3A_59 = arith.cmpi eq, %arg0, %eq3A_58 : i32
    %convert_element_type3A_60 = arith.extui %eq3A_59 : i1 to i32
    %cond3A_61 = arith.constant 0 : i32
    %cond3A_62 = arith.cmpi ne, %convert_element_type3A_60, %cond3A_61 : i32
    scf.if %cond3A_62 {
      "tpu.region"() ({
        %run_scoped3A = tpu.sem_alloc : memref<!tpu.dma_semaphore, #tpu.memory_space<semaphore_mem>>
        %dma_start3A = arith.constant 0 : i32
        %dma_start3A_63 = tpu.memref_slice %arg11[%add3A_52, %dma_start3A] : memref<10240x128xf32, #tpu.memory_space<vmem_shared>> -> memref<160x128xf32, #tpu.memory_space<vmem_shared>>
        %dma_start3A_64 = arith.constant 0 : i32
        %dma_start3A_65 = tpu.memref_slice %arg11[%add3A_52, %dma_start3A_64] : memref<10240x128xf32, #tpu.memory_space<vmem_shared>> -> memref<160x128xf32, #tpu.memory_space<vmem_shared>>
        tpu.enqueue_dma source(%dma_start3A_65 : memref<160x128xf32, #tpu.memory_space<vmem_shared>>) target(%arg10 : memref<160x128xf32, #tpu.memory_space<vmem>>) target_semaphore(%run_scoped3A : memref<!tpu.dma_semaphore, #tpu.memory_space<semaphore_mem>>)
        %dma_wait3A = arith.constant 0 : i32
        %dma_wait3A_66 = tpu.memref_slice %arg11[%add3A_52, %dma_wait3A] : memref<10240x128xf32, #tpu.memory_space<vmem_shared>> -> memref<160x128xf32, #tpu.memory_space<vmem_shared>>
        %dma_wait3A_67 = arith.constant 0 : i32
        %dma_wait3A_68 = tpu.memref_slice %arg11[%add3A_52, %dma_wait3A_67] : memref<10240x128xf32, #tpu.memory_space<vmem_shared>> -> memref<160x128xf32, #tpu.memory_space<vmem_shared>>
        tpu.wait_dma2 semaphore(%run_scoped3A : memref<!tpu.dma_semaphore, #tpu.memory_space<semaphore_mem>>) src(%dma_wait3A_68 : memref<160x128xf32, #tpu.memory_space<vmem_shared>>) dst(%arg10 : memref<160x128xf32, #tpu.memory_space<vmem>>)
        tpu.yield
      }) : () -> ()
      "tpu.region"() ({
        %run_scoped3A = tpu.sem_alloc : memref<!tpu.dma_semaphore, #tpu.memory_space<semaphore_mem>>
        %dma_start3A = arith.constant 0 : i32
        %dma_start3A_63 = tpu.memref_slice %arg7[%add3A_52, %dma_start3A] : memref<10240x128xf32, #tpu.memory_space<hbm>> -> memref<160x128xf32, #tpu.memory_space<hbm>>
        %dma_start3A_64 = arith.constant 0 : i32
        %dma_start3A_65 = tpu.memref_slice %arg7[%add3A_52, %dma_start3A_64] : memref<10240x128xf32, #tpu.memory_space<hbm>> -> memref<160x128xf32, #tpu.memory_space<hbm>>
        tpu.enqueue_dma source(%arg10 : memref<160x128xf32, #tpu.memory_space<vmem>>) target(%dma_start3A_65 : memref<160x128xf32, #tpu.memory_space<hbm>>) target_semaphore(%run_scoped3A : memref<!tpu.dma_semaphore, #tpu.memory_space<semaphore_mem>>)
        %dma_wait3A = arith.constant 0 : i32
        %dma_wait3A_66 = tpu.memref_slice %arg7[%add3A_52, %dma_wait3A] : memref<10240x128xf32, #tpu.memory_space<hbm>> -> memref<160x128xf32, #tpu.memory_space<hbm>>
        %dma_wait3A_67 = arith.constant 0 : i32
        %dma_wait3A_68 = tpu.memref_slice %arg7[%add3A_52, %dma_wait3A_67] : memref<10240x128xf32, #tpu.memory_space<hbm>> -> memref<160x128xf32, #tpu.memory_space<hbm>>
        tpu.wait_dma2 semaphore(%run_scoped3A : memref<!tpu.dma_semaphore, #tpu.memory_space<semaphore_mem>>) src(%arg10 : memref<160x128xf32, #tpu.memory_space<vmem>>) dst(%dma_wait3A_68 : memref<160x128xf32, #tpu.memory_space<hbm>>)
        tpu.yield
      }) : () -> ()
    } else {
    }
    return
  }
}

#map = affine_map<(d0, d1) -> (0)>
#map1 = affine_map<(d0, d1) -> (0, 0)>
module attributes {stable_mosaic.version = 14 : i64} {
  func.func @_spmm_kernel(%arg0: i32, %arg1: i32, %arg2: memref<320000xi32, #tpu.memory_space<hbm>>, %arg3: memref<640000xi32, #tpu.memory_space<hbm>>, %arg4: memref<640000xi32, #tpu.memory_space<hbm>>, %arg5: memref<640000xi32, #tpu.memory_space<hbm>>, %arg6: memref<20000x128xf32, #tpu.memory_space<hbm>>, %arg7: memref<160x128xf32, #tpu.memory_space<hbm>>, %arg8: memref<10240x128xf32, #tpu.memory_space<hbm>>, %arg9: memref<10240x128xf32, #tpu.memory_space<hbm>>, %arg10: memref<160xi32, #tpu.memory_space<vmem>>, %arg11: memref<160xi32, #tpu.memory_space<vmem>>, %arg12: memref<160xi32, #tpu.memory_space<vmem>>, %arg13: memref<160xi32, #tpu.memory_space<vmem>>, %arg14: memref<160x128xf32, #tpu.memory_space<vmem>>, %arg15: memref<160x128xf32, #tpu.memory_space<vmem>>, %arg16: memref<10240x128xf32, #tpu.memory_space<vmem_shared>>, %arg17: memref<!tpu.dma_semaphore, #tpu.memory_space<semaphore_mem>>) attributes {dimension_semantics = [#tpu.dimension_semantics<core_parallel>, #tpu.dimension_semantics<subcore_parallel>], iteration_bounds = array<i64: 2, 16>, scalar_prefetch = 0 : i64, scratch_operands = 8 : i64, tpu.core_type = #tpu.core_type<sc_vector_subcore>, window_params = [{transform_indices = #map}, {transform_indices = #map}, {transform_indices = #map}, {transform_indices = #map}, {transform_indices = #map1}, {transform_indices = #map1}, {transform_indices = #map1}, {transform_indices = #map1}]} {
    %mul3A = arith.constant 640 : i32
    %mul3A_0 = arith.muli %arg1, %mul3A : i32
    "tpu.region"() ({
      %run_scoped3A = tpu.sem_alloc : memref<!tpu.dma_semaphore, #tpu.memory_space<semaphore_mem>>
      tpu.enqueue_dma source(%arg7 : memref<160x128xf32, #tpu.memory_space<hbm>>) target(%arg14 : memref<160x128xf32, #tpu.memory_space<vmem>>) target_semaphore(%run_scoped3A : memref<!tpu.dma_semaphore, #tpu.memory_space<semaphore_mem>>)
      tpu.wait_dma2 semaphore(%run_scoped3A : memref<!tpu.dma_semaphore, #tpu.memory_space<semaphore_mem>>) src(%arg7 : memref<160x128xf32, #tpu.memory_space<hbm>>) dst(%arg14 : memref<160x128xf32, #tpu.memory_space<vmem>>)
      tpu.yield
    }) : () -> ()
    %add3A = arith.constant 0 : i32
    %add3A_1 = arith.addi %mul3A_0, %add3A : i32
    "tpu.region"() ({
      %run_scoped3A = tpu.sem_alloc : memref<!tpu.dma_semaphore, #tpu.memory_space<semaphore_mem>>
      %dma_start3A = arith.constant 0 : i32
      %dma_start3A_63 = tpu.memref_slice %arg16[%add3A_1, %dma_start3A] : memref<10240x128xf32, #tpu.memory_space<vmem_shared>> -> memref<160x128xf32, #tpu.memory_space<vmem_shared>>
      %dma_start3A_64 = arith.constant 0 : i32
      %dma_start3A_65 = tpu.memref_slice %arg16[%add3A_1, %dma_start3A_64] : memref<10240x128xf32, #tpu.memory_space<vmem_shared>> -> memref<160x128xf32, #tpu.memory_space<vmem_shared>>
      tpu.enqueue_dma source(%arg14 : memref<160x128xf32, #tpu.memory_space<vmem>>) target(%dma_start3A_65 : memref<160x128xf32, #tpu.memory_space<vmem_shared>>) target_semaphore(%run_scoped3A : memref<!tpu.dma_semaphore, #tpu.memory_space<semaphore_mem>>)
      %dma_wait3A = arith.constant 0 : i32
      %dma_wait3A_66 = tpu.memref_slice %arg16[%add3A_1, %dma_wait3A] : memref<10240x128xf32, #tpu.memory_space<vmem_shared>> -> memref<160x128xf32, #tpu.memory_space<vmem_shared>>
      %dma_wait3A_67 = arith.constant 0 : i32
      %dma_wait3A_68 = tpu.memref_slice %arg16[%add3A_1, %dma_wait3A_67] : memref<10240x128xf32, #tpu.memory_space<vmem_shared>> -> memref<160x128xf32, #tpu.memory_space<vmem_shared>>
      tpu.wait_dma2 semaphore(%run_scoped3A : memref<!tpu.dma_semaphore, #tpu.memory_space<semaphore_mem>>) src(%arg14 : memref<160x128xf32, #tpu.memory_space<vmem>>) dst(%dma_wait3A_68 : memref<160x128xf32, #tpu.memory_space<vmem_shared>>)
      tpu.yield
    }) : () -> ()
    %add3A_2 = arith.constant 160 : i32
    %add3A_3 = arith.addi %mul3A_0, %add3A_2 : i32
    "tpu.region"() ({
      %run_scoped3A = tpu.sem_alloc : memref<!tpu.dma_semaphore, #tpu.memory_space<semaphore_mem>>
      %dma_start3A = arith.constant 0 : i32
      %dma_start3A_63 = tpu.memref_slice %arg16[%add3A_3, %dma_start3A] : memref<10240x128xf32, #tpu.memory_space<vmem_shared>> -> memref<160x128xf32, #tpu.memory_space<vmem_shared>>
      %dma_start3A_64 = arith.constant 0 : i32
      %dma_start3A_65 = tpu.memref_slice %arg16[%add3A_3, %dma_start3A_64] : memref<10240x128xf32, #tpu.memory_space<vmem_shared>> -> memref<160x128xf32, #tpu.memory_space<vmem_shared>>
      tpu.enqueue_dma source(%arg14 : memref<160x128xf32, #tpu.memory_space<vmem>>) target(%dma_start3A_65 : memref<160x128xf32, #tpu.memory_space<vmem_shared>>) target_semaphore(%run_scoped3A : memref<!tpu.dma_semaphore, #tpu.memory_space<semaphore_mem>>)
      %dma_wait3A = arith.constant 0 : i32
      %dma_wait3A_66 = tpu.memref_slice %arg16[%add3A_3, %dma_wait3A] : memref<10240x128xf32, #tpu.memory_space<vmem_shared>> -> memref<160x128xf32, #tpu.memory_space<vmem_shared>>
      %dma_wait3A_67 = arith.constant 0 : i32
      %dma_wait3A_68 = tpu.memref_slice %arg16[%add3A_3, %dma_wait3A_67] : memref<10240x128xf32, #tpu.memory_space<vmem_shared>> -> memref<160x128xf32, #tpu.memory_space<vmem_shared>>
      tpu.wait_dma2 semaphore(%run_scoped3A : memref<!tpu.dma_semaphore, #tpu.memory_space<semaphore_mem>>) src(%arg14 : memref<160x128xf32, #tpu.memory_space<vmem>>) dst(%dma_wait3A_68 : memref<160x128xf32, #tpu.memory_space<vmem_shared>>)
      tpu.yield
    }) : () -> ()
    %add3A_4 = arith.constant 320 : i32
    %add3A_5 = arith.addi %mul3A_0, %add3A_4 : i32
    "tpu.region"() ({
      %run_scoped3A = tpu.sem_alloc : memref<!tpu.dma_semaphore, #tpu.memory_space<semaphore_mem>>
      %dma_start3A = arith.constant 0 : i32
      %dma_start3A_63 = tpu.memref_slice %arg16[%add3A_5, %dma_start3A] : memref<10240x128xf32, #tpu.memory_space<vmem_shared>> -> memref<160x128xf32, #tpu.memory_space<vmem_shared>>
      %dma_start3A_64 = arith.constant 0 : i32
      %dma_start3A_65 = tpu.memref_slice %arg16[%add3A_5, %dma_start3A_64] : memref<10240x128xf32, #tpu.memory_space<vmem_shared>> -> memref<160x128xf32, #tpu.memory_space<vmem_shared>>
      tpu.enqueue_dma source(%arg14 : memref<160x128xf32, #tpu.memory_space<vmem>>) target(%dma_start3A_65 : memref<160x128xf32, #tpu.memory_space<vmem_shared>>) target_semaphore(%run_scoped3A : memref<!tpu.dma_semaphore, #tpu.memory_space<semaphore_mem>>)
      %dma_wait3A = arith.constant 0 : i32
      %dma_wait3A_66 = tpu.memref_slice %arg16[%add3A_5, %dma_wait3A] : memref<10240x128xf32, #tpu.memory_space<vmem_shared>> -> memref<160x128xf32, #tpu.memory_space<vmem_shared>>
      %dma_wait3A_67 = arith.constant 0 : i32
      %dma_wait3A_68 = tpu.memref_slice %arg16[%add3A_5, %dma_wait3A_67] : memref<10240x128xf32, #tpu.memory_space<vmem_shared>> -> memref<160x128xf32, #tpu.memory_space<vmem_shared>>
      tpu.wait_dma2 semaphore(%run_scoped3A : memref<!tpu.dma_semaphore, #tpu.memory_space<semaphore_mem>>) src(%arg14 : memref<160x128xf32, #tpu.memory_space<vmem>>) dst(%dma_wait3A_68 : memref<160x128xf32, #tpu.memory_space<vmem_shared>>)
      tpu.yield
    }) : () -> ()
    %add3A_6 = arith.constant 480 : i32
    %add3A_7 = arith.addi %mul3A_0, %add3A_6 : i32
    "tpu.region"() ({
      %run_scoped3A = tpu.sem_alloc : memref<!tpu.dma_semaphore, #tpu.memory_space<semaphore_mem>>
      %dma_start3A = arith.constant 0 : i32
      %dma_start3A_63 = tpu.memref_slice %arg16[%add3A_7, %dma_start3A] : memref<10240x128xf32, #tpu.memory_space<vmem_shared>> -> memref<160x128xf32, #tpu.memory_space<vmem_shared>>
      %dma_start3A_64 = arith.constant 0 : i32
      %dma_start3A_65 = tpu.memref_slice %arg16[%add3A_7, %dma_start3A_64] : memref<10240x128xf32, #tpu.memory_space<vmem_shared>> -> memref<160x128xf32, #tpu.memory_space<vmem_shared>>
      tpu.enqueue_dma source(%arg14 : memref<160x128xf32, #tpu.memory_space<vmem>>) target(%dma_start3A_65 : memref<160x128xf32, #tpu.memory_space<vmem_shared>>) target_semaphore(%run_scoped3A : memref<!tpu.dma_semaphore, #tpu.memory_space<semaphore_mem>>)
      %dma_wait3A = arith.constant 0 : i32
      %dma_wait3A_66 = tpu.memref_slice %arg16[%add3A_7, %dma_wait3A] : memref<10240x128xf32, #tpu.memory_space<vmem_shared>> -> memref<160x128xf32, #tpu.memory_space<vmem_shared>>
      %dma_wait3A_67 = arith.constant 0 : i32
      %dma_wait3A_68 = tpu.memref_slice %arg16[%add3A_7, %dma_wait3A_67] : memref<10240x128xf32, #tpu.memory_space<vmem_shared>> -> memref<160x128xf32, #tpu.memory_space<vmem_shared>>
      tpu.wait_dma2 semaphore(%run_scoped3A : memref<!tpu.dma_semaphore, #tpu.memory_space<semaphore_mem>>) src(%arg14 : memref<160x128xf32, #tpu.memory_space<vmem>>) dst(%dma_wait3A_68 : memref<160x128xf32, #tpu.memory_space<vmem_shared>>)
      tpu.yield
    }) : () -> ()
    %barrier3A = arith.constant 0 : index
    tpu.barrier barrier_id(%barrier3A)
    %mul3A_8 = arith.constant 320000 : i32
    %mul3A_9 = arith.muli %arg0, %mul3A_8 : i32
    %mul3A_10 = arith.constant 20000 : i32
    %mul3A_11 = arith.muli %arg1, %mul3A_10 : i32
    %add3A_12 = arith.addi %mul3A_9, %mul3A_11 : i32
    %scan3A = arith.constant 0 : i32
    %scan3A_13 = arith.constant 125 : i32
    %scan3A_14 = arith.addi %scan3A, %scan3A_13 : i32
    %scan3A_15 = arith.constant 1 : i32
    scf.for %scan3A_63 = %scan3A to %scan3A_14 step %scan3A_15  : i32 {
      %mul3A_64 = arith.constant 1 : i32
      %mul3A_65 = arith.muli %scan3A_63, %mul3A_64 : i32
      %add3A_66 = arith.constant 0 : i32
      %add3A_67 = arith.addi %add3A_66, %mul3A_65 : i32
      %mul3A_68 = arith.constant 20000 : i32
      %mul3A_69 = arith.muli %arg1, %mul3A_68 : i32
      %mul3A_70 = arith.constant 160 : i32
      %mul3A_71 = arith.muli %add3A_67, %mul3A_70 : i32
      %add3A_72 = arith.addi %mul3A_69, %mul3A_71 : i32
      %mul3A_73 = arith.constant 160 : i32
      %mul3A_74 = arith.muli %add3A_67, %mul3A_73 : i32
      %add3A_75 = arith.addi %add3A_12, %mul3A_74 : i32
      "tpu.region"() ({
        %run_scoped3A = tpu.sem_alloc : memref<!tpu.dma_semaphore, #tpu.memory_space<semaphore_mem>>
        %dma_start3A_86 = tpu.memref_slice %arg2[%add3A_72] : memref<320000xi32, #tpu.memory_space<hbm>> -> memref<160xi32, #tpu.memory_space<hbm>>
        %dma_start3A_87 = tpu.memref_slice %arg2[%add3A_72] : memref<320000xi32, #tpu.memory_space<hbm>> -> memref<160xi32, #tpu.memory_space<hbm>>
        tpu.enqueue_dma source(%dma_start3A_87 : memref<160xi32, #tpu.memory_space<hbm>>) target(%arg10 : memref<160xi32, #tpu.memory_space<vmem>>) target_semaphore(%run_scoped3A : memref<!tpu.dma_semaphore, #tpu.memory_space<semaphore_mem>>)
        %dma_wait3A_88 = tpu.memref_slice %arg2[%add3A_72] : memref<320000xi32, #tpu.memory_space<hbm>> -> memref<160xi32, #tpu.memory_space<hbm>>
        %dma_wait3A_89 = tpu.memref_slice %arg2[%add3A_72] : memref<320000xi32, #tpu.memory_space<hbm>> -> memref<160xi32, #tpu.memory_space<hbm>>
        tpu.wait_dma2 semaphore(%run_scoped3A : memref<!tpu.dma_semaphore, #tpu.memory_space<semaphore_mem>>) src(%dma_wait3A_89 : memref<160xi32, #tpu.memory_space<hbm>>) dst(%arg10 : memref<160xi32, #tpu.memory_space<vmem>>)
        tpu.yield
      }) : () -> ()
      "tpu.region"() ({
        %run_scoped3A = tpu.sem_alloc : memref<!tpu.dma_semaphore, #tpu.memory_space<semaphore_mem>>
        %dma_start3A_86 = tpu.memref_slice %arg3[%add3A_75] : memref<640000xi32, #tpu.memory_space<hbm>> -> memref<160xi32, #tpu.memory_space<hbm>>
        %dma_start3A_87 = tpu.memref_slice %arg3[%add3A_75] : memref<640000xi32, #tpu.memory_space<hbm>> -> memref<160xi32, #tpu.memory_space<hbm>>
        tpu.enqueue_dma source(%dma_start3A_87 : memref<160xi32, #tpu.memory_space<hbm>>) target(%arg11 : memref<160xi32, #tpu.memory_space<vmem>>) target_semaphore(%run_scoped3A : memref<!tpu.dma_semaphore, #tpu.memory_space<semaphore_mem>>)
        %dma_wait3A_88 = tpu.memref_slice %arg3[%add3A_75] : memref<640000xi32, #tpu.memory_space<hbm>> -> memref<160xi32, #tpu.memory_space<hbm>>
        %dma_wait3A_89 = tpu.memref_slice %arg3[%add3A_75] : memref<640000xi32, #tpu.memory_space<hbm>> -> memref<160xi32, #tpu.memory_space<hbm>>
        tpu.wait_dma2 semaphore(%run_scoped3A : memref<!tpu.dma_semaphore, #tpu.memory_space<semaphore_mem>>) src(%dma_wait3A_89 : memref<160xi32, #tpu.memory_space<hbm>>) dst(%arg11 : memref<160xi32, #tpu.memory_space<vmem>>)
        tpu.yield
      }) : () -> ()
      "tpu.region"() ({
        %run_scoped3A = tpu.sem_alloc : memref<!tpu.dma_semaphore, #tpu.memory_space<semaphore_mem>>
        %dma_start3A_86 = tpu.memref_slice %arg4[%add3A_75] : memref<640000xi32, #tpu.memory_space<hbm>> -> memref<160xi32, #tpu.memory_space<hbm>>
        %dma_start3A_87 = tpu.memref_slice %arg4[%add3A_75] : memref<640000xi32, #tpu.memory_space<hbm>> -> memref<160xi32, #tpu.memory_space<hbm>>
        tpu.enqueue_dma source(%dma_start3A_87 : memref<160xi32, #tpu.memory_space<hbm>>) target(%arg12 : memref<160xi32, #tpu.memory_space<vmem>>) target_semaphore(%run_scoped3A : memref<!tpu.dma_semaphore, #tpu.memory_space<semaphore_mem>>)
        %dma_wait3A_88 = tpu.memref_slice %arg4[%add3A_75] : memref<640000xi32, #tpu.memory_space<hbm>> -> memref<160xi32, #tpu.memory_space<hbm>>
        %dma_wait3A_89 = tpu.memref_slice %arg4[%add3A_75] : memref<640000xi32, #tpu.memory_space<hbm>> -> memref<160xi32, #tpu.memory_space<hbm>>
        tpu.wait_dma2 semaphore(%run_scoped3A : memref<!tpu.dma_semaphore, #tpu.memory_space<semaphore_mem>>) src(%dma_wait3A_89 : memref<160xi32, #tpu.memory_space<hbm>>) dst(%arg12 : memref<160xi32, #tpu.memory_space<vmem>>)
        tpu.yield
      }) : () -> ()
      "tpu.region"() ({
        %run_scoped3A = tpu.sem_alloc : memref<!tpu.dma_semaphore, #tpu.memory_space<semaphore_mem>>
        %dma_start3A_86 = tpu.memref_slice %arg5[%add3A_75] : memref<640000xi32, #tpu.memory_space<hbm>> -> memref<160xi32, #tpu.memory_space<hbm>>
        %dma_start3A_87 = tpu.memref_slice %arg5[%add3A_75] : memref<640000xi32, #tpu.memory_space<hbm>> -> memref<160xi32, #tpu.memory_space<hbm>>
        tpu.enqueue_dma source(%dma_start3A_87 : memref<160xi32, #tpu.memory_space<hbm>>) target(%arg13 : memref<160xi32, #tpu.memory_space<vmem>>) target_semaphore(%run_scoped3A : memref<!tpu.dma_semaphore, #tpu.memory_space<semaphore_mem>>)
        %dma_wait3A_88 = tpu.memref_slice %arg5[%add3A_75] : memref<640000xi32, #tpu.memory_space<hbm>> -> memref<160xi32, #tpu.memory_space<hbm>>
        %dma_wait3A_89 = tpu.memref_slice %arg5[%add3A_75] : memref<640000xi32, #tpu.memory_space<hbm>> -> memref<160xi32, #tpu.memory_space<hbm>>
        tpu.wait_dma2 semaphore(%run_scoped3A : memref<!tpu.dma_semaphore, #tpu.memory_space<semaphore_mem>>) src(%dma_wait3A_89 : memref<160xi32, #tpu.memory_space<hbm>>) dst(%arg13 : memref<160xi32, #tpu.memory_space<vmem>>)
        tpu.yield
      }) : () -> ()
      %dma_start3A = arith.constant 0 : i32
      %dma_start3A_76 = arith.constant 0 : i32
      %dma_start3A_77 = tpu.memref_slice %arg6[%dma_start3A, %dma_start3A_76] : memref<20000x128xf32, #tpu.memory_space<hbm>> -> memref<20000x128xf32, #tpu.memory_space<hbm>>
      tpu.enqueue_indirect_dma source(%dma_start3A_77 : memref<20000x128xf32, #tpu.memory_space<hbm>>) target(%arg14 : memref<160x128xf32, #tpu.memory_space<vmem>>) offsets(%arg10 : memref<160xi32, #tpu.memory_space<vmem>>) semaphore(%arg17 : memref<!tpu.dma_semaphore, #tpu.memory_space<semaphore_mem>>)
      %dma_wait3A = arith.constant 0 : i32
      %dma_wait3A_78 = arith.constant 0 : i32
      %dma_wait3A_79 = tpu.memref_slice %arg6[%dma_wait3A, %dma_wait3A_78] : memref<20000x128xf32, #tpu.memory_space<hbm>> -> memref<20000x128xf32, #tpu.memory_space<hbm>>
      tpu.wait_indirect_dma semaphore(%arg17 : memref<!tpu.dma_semaphore, #tpu.memory_space<semaphore_mem>>) src(%dma_wait3A_79 : memref<20000x128xf32, #tpu.memory_space<hbm>>) dst(%arg14 : memref<160x128xf32, #tpu.memory_space<vmem>>)
      "tpu.region"() ({
        %run_scoped3A = tpu.sem_alloc : memref<!tpu.dma_semaphore, #tpu.memory_space<semaphore_mem>>
        %dma_start3A_86 = arith.constant 0 : i32
        %dma_start3A_87 = arith.constant 0 : i32
        %dma_start3A_88 = tpu.memref_slice %arg16[%dma_start3A_86, %dma_start3A_87] : memref<10240x128xf32, #tpu.memory_space<vmem_shared>> -> memref<10240x128xf32, #tpu.memory_space<vmem_shared>>
        tpu.enqueue_indirect_dma source(%arg14 : memref<160x128xf32, #tpu.memory_space<vmem>>) target(%dma_start3A_88 : memref<10240x128xf32, #tpu.memory_space<vmem_shared>>) offsets(%arg12 : memref<160xi32, #tpu.memory_space<vmem>>) semaphore(%run_scoped3A : memref<!tpu.dma_semaphore, #tpu.memory_space<semaphore_mem>>) {add = true}
        %dma_wait3A_89 = arith.constant 0 : i32
        %dma_wait3A_90 = arith.constant 0 : i32
        %dma_wait3A_91 = tpu.memref_slice %arg16[%dma_wait3A_89, %dma_wait3A_90] : memref<10240x128xf32, #tpu.memory_space<vmem_shared>> -> memref<10240x128xf32, #tpu.memory_space<vmem_shared>>
        tpu.wait_indirect_dma semaphore(%run_scoped3A : memref<!tpu.dma_semaphore, #tpu.memory_space<semaphore_mem>>) src(%arg14 : memref<160x128xf32, #tpu.memory_space<vmem>>) dst(%dma_wait3A_91 : memref<10240x128xf32, #tpu.memory_space<vmem_shared>>)
        tpu.yield
      }) : () -> ()
      %dma_start3A_80 = arith.constant 0 : i32
      %dma_start3A_81 = arith.constant 0 : i32
      %dma_start3A_82 = tpu.memref_slice %arg6[%dma_start3A_80, %dma_start3A_81] : memref<20000x128xf32, #tpu.memory_space<hbm>> -> memref<20000x128xf32, #tpu.memory_space<hbm>>
      tpu.enqueue_indirect_dma source(%dma_start3A_82 : memref<20000x128xf32, #tpu.memory_space<hbm>>) target(%arg15 : memref<160x128xf32, #tpu.memory_space<vmem>>) offsets(%arg11 : memref<160xi32, #tpu.memory_space<vmem>>) semaphore(%arg17 : memref<!tpu.dma_semaphore, #tpu.memory_space<semaphore_mem>>)
      %dma_wait3A_83 = arith.constant 0 : i32
      %dma_wait3A_84 = arith.constant 0 : i32
      %dma_wait3A_85 = tpu.memref_slice %arg6[%dma_wait3A_83, %dma_wait3A_84] : memref<20000x128xf32, #tpu.memory_space<hbm>> -> memref<20000x128xf32, #tpu.memory_space<hbm>>
      tpu.wait_indirect_dma semaphore(%arg17 : memref<!tpu.dma_semaphore, #tpu.memory_space<semaphore_mem>>) src(%dma_wait3A_85 : memref<20000x128xf32, #tpu.memory_space<hbm>>) dst(%arg15 : memref<160x128xf32, #tpu.memory_space<vmem>>)
      "tpu.region"() ({
        %run_scoped3A = tpu.sem_alloc : memref<!tpu.dma_semaphore, #tpu.memory_space<semaphore_mem>>
        %dma_start3A_86 = arith.constant 0 : i32
        %dma_start3A_87 = arith.constant 0 : i32
        %dma_start3A_88 = tpu.memref_slice %arg16[%dma_start3A_86, %dma_start3A_87] : memref<10240x128xf32, #tpu.memory_space<vmem_shared>> -> memref<10240x128xf32, #tpu.memory_space<vmem_shared>>
        tpu.enqueue_indirect_dma source(%arg15 : memref<160x128xf32, #tpu.memory_space<vmem>>) target(%dma_start3A_88 : memref<10240x128xf32, #tpu.memory_space<vmem_shared>>) offsets(%arg13 : memref<160xi32, #tpu.memory_space<vmem>>) semaphore(%run_scoped3A : memref<!tpu.dma_semaphore, #tpu.memory_space<semaphore_mem>>) {add = true}
        %dma_wait3A_89 = arith.constant 0 : i32
        %dma_wait3A_90 = arith.constant 0 : i32
        %dma_wait3A_91 = tpu.memref_slice %arg16[%dma_wait3A_89, %dma_wait3A_90] : memref<10240x128xf32, #tpu.memory_space<vmem_shared>> -> memref<10240x128xf32, #tpu.memory_space<vmem_shared>>
        tpu.wait_indirect_dma semaphore(%run_scoped3A : memref<!tpu.dma_semaphore, #tpu.memory_space<semaphore_mem>>) src(%arg15 : memref<160x128xf32, #tpu.memory_space<vmem>>) dst(%dma_wait3A_91 : memref<10240x128xf32, #tpu.memory_space<vmem_shared>>)
        tpu.yield
      }) : () -> ()
    }
    %scan3A_16 = arith.constant 125 : i32
    %barrier3A_17 = arith.constant 0 : index
    tpu.barrier barrier_id(%barrier3A_17)
    %add3A_18 = arith.constant 0 : i32
    %add3A_19 = arith.addi %mul3A_0, %add3A_18 : i32
    %eq3A = arith.constant 0 : i32
    %eq3A_20 = arith.cmpi eq, %arg0, %eq3A : i32
    %convert_element_type3A = arith.extui %eq3A_20 : i1 to i32
    %cond3A = arith.constant 0 : i32
    %cond3A_21 = arith.cmpi ne, %convert_element_type3A, %cond3A : i32
    scf.if %cond3A_21 {
      "tpu.region"() ({
        %run_scoped3A = tpu.sem_alloc : memref<!tpu.dma_semaphore, #tpu.memory_space<semaphore_mem>>
        %dma_start3A = arith.constant 0 : i32
        %dma_start3A_63 = tpu.memref_slice %arg16[%add3A_19, %dma_start3A] : memref<10240x128xf32, #tpu.memory_space<vmem_shared>> -> memref<160x128xf32, #tpu.memory_space<vmem_shared>>
        %dma_start3A_64 = arith.constant 0 : i32
        %dma_start3A_65 = tpu.memref_slice %arg16[%add3A_19, %dma_start3A_64] : memref<10240x128xf32, #tpu.memory_space<vmem_shared>> -> memref<160x128xf32, #tpu.memory_space<vmem_shared>>
        tpu.enqueue_dma source(%dma_start3A_65 : memref<160x128xf32, #tpu.memory_space<vmem_shared>>) target(%arg14 : memref<160x128xf32, #tpu.memory_space<vmem>>) target_semaphore(%run_scoped3A : memref<!tpu.dma_semaphore, #tpu.memory_space<semaphore_mem>>)
        %dma_wait3A = arith.constant 0 : i32
        %dma_wait3A_66 = tpu.memref_slice %arg16[%add3A_19, %dma_wait3A] : memref<10240x128xf32, #tpu.memory_space<vmem_shared>> -> memref<160x128xf32, #tpu.memory_space<vmem_shared>>
        %dma_wait3A_67 = arith.constant 0 : i32
        %dma_wait3A_68 = tpu.memref_slice %arg16[%add3A_19, %dma_wait3A_67] : memref<10240x128xf32, #tpu.memory_space<vmem_shared>> -> memref<160x128xf32, #tpu.memory_space<vmem_shared>>
        tpu.wait_dma2 semaphore(%run_scoped3A : memref<!tpu.dma_semaphore, #tpu.memory_space<semaphore_mem>>) src(%dma_wait3A_68 : memref<160x128xf32, #tpu.memory_space<vmem_shared>>) dst(%arg14 : memref<160x128xf32, #tpu.memory_space<vmem>>)
        tpu.yield
      }) : () -> ()
      "tpu.region"() ({
        %run_scoped3A = tpu.sem_alloc : memref<!tpu.dma_semaphore, #tpu.memory_space<semaphore_mem>>
        %dma_start3A = arith.constant 0 : i32
        %dma_start3A_63 = tpu.memref_slice %arg8[%add3A_19, %dma_start3A] : memref<10240x128xf32, #tpu.memory_space<hbm>> -> memref<160x128xf32, #tpu.memory_space<hbm>>
        %dma_start3A_64 = arith.constant 0 : i32
        %dma_start3A_65 = tpu.memref_slice %arg8[%add3A_19, %dma_start3A_64] : memref<10240x128xf32, #tpu.memory_space<hbm>> -> memref<160x128xf32, #tpu.memory_space<hbm>>
        tpu.enqueue_dma source(%arg14 : memref<160x128xf32, #tpu.memory_space<vmem>>) target(%dma_start3A_65 : memref<160x128xf32, #tpu.memory_space<hbm>>) target_semaphore(%run_scoped3A : memref<!tpu.dma_semaphore, #tpu.memory_space<semaphore_mem>>)
        %dma_wait3A = arith.constant 0 : i32
        %dma_wait3A_66 = tpu.memref_slice %arg8[%add3A_19, %dma_wait3A] : memref<10240x128xf32, #tpu.memory_space<hbm>> -> memref<160x128xf32, #tpu.memory_space<hbm>>
        %dma_wait3A_67 = arith.constant 0 : i32
        %dma_wait3A_68 = tpu.memref_slice %arg8[%add3A_19, %dma_wait3A_67] : memref<10240x128xf32, #tpu.memory_space<hbm>> -> memref<160x128xf32, #tpu.memory_space<hbm>>
        tpu.wait_dma2 semaphore(%run_scoped3A : memref<!tpu.dma_semaphore, #tpu.memory_space<semaphore_mem>>) src(%arg14 : memref<160x128xf32, #tpu.memory_space<vmem>>) dst(%dma_wait3A_68 : memref<160x128xf32, #tpu.memory_space<hbm>>)
        tpu.yield
      }) : () -> ()
    } else {
    }
    %eq3A_22 = arith.constant 1 : i32
    %eq3A_23 = arith.cmpi eq, %arg0, %eq3A_22 : i32
    %convert_element_type3A_24 = arith.extui %eq3A_23 : i1 to i32
    %cond3A_25 = arith.constant 0 : i32
    %cond3A_26 = arith.cmpi ne, %convert_element_type3A_24, %cond3A_25 : i32
    scf.if %cond3A_26 {
      "tpu.region"() ({
        %run_scoped3A = tpu.sem_alloc : memref<!tpu.dma_semaphore, #tpu.memory_space<semaphore_mem>>
        %dma_start3A = arith.constant 0 : i32
        %dma_start3A_63 = tpu.memref_slice %arg16[%add3A_19, %dma_start3A] : memref<10240x128xf32, #tpu.memory_space<vmem_shared>> -> memref<160x128xf32, #tpu.memory_space<vmem_shared>>
        %dma_start3A_64 = arith.constant 0 : i32
        %dma_start3A_65 = tpu.memref_slice %arg16[%add3A_19, %dma_start3A_64] : memref<10240x128xf32, #tpu.memory_space<vmem_shared>> -> memref<160x128xf32, #tpu.memory_space<vmem_shared>>
        tpu.enqueue_dma source(%dma_start3A_65 : memref<160x128xf32, #tpu.memory_space<vmem_shared>>) target(%arg14 : memref<160x128xf32, #tpu.memory_space<vmem>>) target_semaphore(%run_scoped3A : memref<!tpu.dma_semaphore, #tpu.memory_space<semaphore_mem>>)
        %dma_wait3A = arith.constant 0 : i32
        %dma_wait3A_66 = tpu.memref_slice %arg16[%add3A_19, %dma_wait3A] : memref<10240x128xf32, #tpu.memory_space<vmem_shared>> -> memref<160x128xf32, #tpu.memory_space<vmem_shared>>
        %dma_wait3A_67 = arith.constant 0 : i32
        %dma_wait3A_68 = tpu.memref_slice %arg16[%add3A_19, %dma_wait3A_67] : memref<10240x128xf32, #tpu.memory_space<vmem_shared>> -> memref<160x128xf32, #tpu.memory_space<vmem_shared>>
        tpu.wait_dma2 semaphore(%run_scoped3A : memref<!tpu.dma_semaphore, #tpu.memory_space<semaphore_mem>>) src(%dma_wait3A_68 : memref<160x128xf32, #tpu.memory_space<vmem_shared>>) dst(%arg14 : memref<160x128xf32, #tpu.memory_space<vmem>>)
        tpu.yield
      }) : () -> ()
      "tpu.region"() ({
        %run_scoped3A = tpu.sem_alloc : memref<!tpu.dma_semaphore, #tpu.memory_space<semaphore_mem>>
        %dma_start3A = arith.constant 0 : i32
        %dma_start3A_63 = tpu.memref_slice %arg9[%add3A_19, %dma_start3A] : memref<10240x128xf32, #tpu.memory_space<hbm>> -> memref<160x128xf32, #tpu.memory_space<hbm>>
        %dma_start3A_64 = arith.constant 0 : i32
        %dma_start3A_65 = tpu.memref_slice %arg9[%add3A_19, %dma_start3A_64] : memref<10240x128xf32, #tpu.memory_space<hbm>> -> memref<160x128xf32, #tpu.memory_space<hbm>>
        tpu.enqueue_dma source(%arg14 : memref<160x128xf32, #tpu.memory_space<vmem>>) target(%dma_start3A_65 : memref<160x128xf32, #tpu.memory_space<hbm>>) target_semaphore(%run_scoped3A : memref<!tpu.dma_semaphore, #tpu.memory_space<semaphore_mem>>)
        %dma_wait3A = arith.constant 0 : i32
        %dma_wait3A_66 = tpu.memref_slice %arg9[%add3A_19, %dma_wait3A] : memref<10240x128xf32, #tpu.memory_space<hbm>> -> memref<160x128xf32, #tpu.memory_space<hbm>>
        %dma_wait3A_67 = arith.constant 0 : i32
        %dma_wait3A_68 = tpu.memref_slice %arg9[%add3A_19, %dma_wait3A_67] : memref<10240x128xf32, #tpu.memory_space<hbm>> -> memref<160x128xf32, #tpu.memory_space<hbm>>
        tpu.wait_dma2 semaphore(%run_scoped3A : memref<!tpu.dma_semaphore, #tpu.memory_space<semaphore_mem>>) src(%arg14 : memref<160x128xf32, #tpu.memory_space<vmem>>) dst(%dma_wait3A_68 : memref<160x128xf32, #tpu.memory_space<hbm>>)
        tpu.yield
      }) : () -> ()
    } else {
    }
    %add3A_27 = arith.constant 160 : i32
    %add3A_28 = arith.addi %mul3A_0, %add3A_27 : i32
    %eq3A_29 = arith.constant 0 : i32
    %eq3A_30 = arith.cmpi eq, %arg0, %eq3A_29 : i32
    %convert_element_type3A_31 = arith.extui %eq3A_30 : i1 to i32
    %cond3A_32 = arith.constant 0 : i32
    %cond3A_33 = arith.cmpi ne, %convert_element_type3A_31, %cond3A_32 : i32
    scf.if %cond3A_33 {
      "tpu.region"() ({
        %run_scoped3A = tpu.sem_alloc : memref<!tpu.dma_semaphore, #tpu.memory_space<semaphore_mem>>
        %dma_start3A = arith.constant 0 : i32
        %dma_start3A_63 = tpu.memref_slice %arg16[%add3A_28, %dma_start3A] : memref<10240x128xf32, #tpu.memory_space<vmem_shared>> -> memref<160x128xf32, #tpu.memory_space<vmem_shared>>
        %dma_start3A_64 = arith.constant 0 : i32
        %dma_start3A_65 = tpu.memref_slice %arg16[%add3A_28, %dma_start3A_64] : memref<10240x128xf32, #tpu.memory_space<vmem_shared>> -> memref<160x128xf32, #tpu.memory_space<vmem_shared>>
        tpu.enqueue_dma source(%dma_start3A_65 : memref<160x128xf32, #tpu.memory_space<vmem_shared>>) target(%arg14 : memref<160x128xf32, #tpu.memory_space<vmem>>) target_semaphore(%run_scoped3A : memref<!tpu.dma_semaphore, #tpu.memory_space<semaphore_mem>>)
        %dma_wait3A = arith.constant 0 : i32
        %dma_wait3A_66 = tpu.memref_slice %arg16[%add3A_28, %dma_wait3A] : memref<10240x128xf32, #tpu.memory_space<vmem_shared>> -> memref<160x128xf32, #tpu.memory_space<vmem_shared>>
        %dma_wait3A_67 = arith.constant 0 : i32
        %dma_wait3A_68 = tpu.memref_slice %arg16[%add3A_28, %dma_wait3A_67] : memref<10240x128xf32, #tpu.memory_space<vmem_shared>> -> memref<160x128xf32, #tpu.memory_space<vmem_shared>>
        tpu.wait_dma2 semaphore(%run_scoped3A : memref<!tpu.dma_semaphore, #tpu.memory_space<semaphore_mem>>) src(%dma_wait3A_68 : memref<160x128xf32, #tpu.memory_space<vmem_shared>>) dst(%arg14 : memref<160x128xf32, #tpu.memory_space<vmem>>)
        tpu.yield
      }) : () -> ()
      "tpu.region"() ({
        %run_scoped3A = tpu.sem_alloc : memref<!tpu.dma_semaphore, #tpu.memory_space<semaphore_mem>>
        %dma_start3A = arith.constant 0 : i32
        %dma_start3A_63 = tpu.memref_slice %arg8[%add3A_28, %dma_start3A] : memref<10240x128xf32, #tpu.memory_space<hbm>> -> memref<160x128xf32, #tpu.memory_space<hbm>>
        %dma_start3A_64 = arith.constant 0 : i32
        %dma_start3A_65 = tpu.memref_slice %arg8[%add3A_28, %dma_start3A_64] : memref<10240x128xf32, #tpu.memory_space<hbm>> -> memref<160x128xf32, #tpu.memory_space<hbm>>
        tpu.enqueue_dma source(%arg14 : memref<160x128xf32, #tpu.memory_space<vmem>>) target(%dma_start3A_65 : memref<160x128xf32, #tpu.memory_space<hbm>>) target_semaphore(%run_scoped3A : memref<!tpu.dma_semaphore, #tpu.memory_space<semaphore_mem>>)
        %dma_wait3A = arith.constant 0 : i32
        %dma_wait3A_66 = tpu.memref_slice %arg8[%add3A_28, %dma_wait3A] : memref<10240x128xf32, #tpu.memory_space<hbm>> -> memref<160x128xf32, #tpu.memory_space<hbm>>
        %dma_wait3A_67 = arith.constant 0 : i32
        %dma_wait3A_68 = tpu.memref_slice %arg8[%add3A_28, %dma_wait3A_67] : memref<10240x128xf32, #tpu.memory_space<hbm>> -> memref<160x128xf32, #tpu.memory_space<hbm>>
        tpu.wait_dma2 semaphore(%run_scoped3A : memref<!tpu.dma_semaphore, #tpu.memory_space<semaphore_mem>>) src(%arg14 : memref<160x128xf32, #tpu.memory_space<vmem>>) dst(%dma_wait3A_68 : memref<160x128xf32, #tpu.memory_space<hbm>>)
        tpu.yield
      }) : () -> ()
    } else {
    }
    %eq3A_34 = arith.constant 1 : i32
    %eq3A_35 = arith.cmpi eq, %arg0, %eq3A_34 : i32
    %convert_element_type3A_36 = arith.extui %eq3A_35 : i1 to i32
    %cond3A_37 = arith.constant 0 : i32
    %cond3A_38 = arith.cmpi ne, %convert_element_type3A_36, %cond3A_37 : i32
    scf.if %cond3A_38 {
      "tpu.region"() ({
        %run_scoped3A = tpu.sem_alloc : memref<!tpu.dma_semaphore, #tpu.memory_space<semaphore_mem>>
        %dma_start3A = arith.constant 0 : i32
        %dma_start3A_63 = tpu.memref_slice %arg16[%add3A_28, %dma_start3A] : memref<10240x128xf32, #tpu.memory_space<vmem_shared>> -> memref<160x128xf32, #tpu.memory_space<vmem_shared>>
        %dma_start3A_64 = arith.constant 0 : i32
        %dma_start3A_65 = tpu.memref_slice %arg16[%add3A_28, %dma_start3A_64] : memref<10240x128xf32, #tpu.memory_space<vmem_shared>> -> memref<160x128xf32, #tpu.memory_space<vmem_shared>>
        tpu.enqueue_dma source(%dma_start3A_65 : memref<160x128xf32, #tpu.memory_space<vmem_shared>>) target(%arg14 : memref<160x128xf32, #tpu.memory_space<vmem>>) target_semaphore(%run_scoped3A : memref<!tpu.dma_semaphore, #tpu.memory_space<semaphore_mem>>)
        %dma_wait3A = arith.constant 0 : i32
        %dma_wait3A_66 = tpu.memref_slice %arg16[%add3A_28, %dma_wait3A] : memref<10240x128xf32, #tpu.memory_space<vmem_shared>> -> memref<160x128xf32, #tpu.memory_space<vmem_shared>>
        %dma_wait3A_67 = arith.constant 0 : i32
        %dma_wait3A_68 = tpu.memref_slice %arg16[%add3A_28, %dma_wait3A_67] : memref<10240x128xf32, #tpu.memory_space<vmem_shared>> -> memref<160x128xf32, #tpu.memory_space<vmem_shared>>
        tpu.wait_dma2 semaphore(%run_scoped3A : memref<!tpu.dma_semaphore, #tpu.memory_space<semaphore_mem>>) src(%dma_wait3A_68 : memref<160x128xf32, #tpu.memory_space<vmem_shared>>) dst(%arg14 : memref<160x128xf32, #tpu.memory_space<vmem>>)
        tpu.yield
      }) : () -> ()
      "tpu.region"() ({
        %run_scoped3A = tpu.sem_alloc : memref<!tpu.dma_semaphore, #tpu.memory_space<semaphore_mem>>
        %dma_start3A = arith.constant 0 : i32
        %dma_start3A_63 = tpu.memref_slice %arg9[%add3A_28, %dma_start3A] : memref<10240x128xf32, #tpu.memory_space<hbm>> -> memref<160x128xf32, #tpu.memory_space<hbm>>
        %dma_start3A_64 = arith.constant 0 : i32
        %dma_start3A_65 = tpu.memref_slice %arg9[%add3A_28, %dma_start3A_64] : memref<10240x128xf32, #tpu.memory_space<hbm>> -> memref<160x128xf32, #tpu.memory_space<hbm>>
        tpu.enqueue_dma source(%arg14 : memref<160x128xf32, #tpu.memory_space<vmem>>) target(%dma_start3A_65 : memref<160x128xf32, #tpu.memory_space<hbm>>) target_semaphore(%run_scoped3A : memref<!tpu.dma_semaphore, #tpu.memory_space<semaphore_mem>>)
        %dma_wait3A = arith.constant 0 : i32
        %dma_wait3A_66 = tpu.memref_slice %arg9[%add3A_28, %dma_wait3A] : memref<10240x128xf32, #tpu.memory_space<hbm>> -> memref<160x128xf32, #tpu.memory_space<hbm>>
        %dma_wait3A_67 = arith.constant 0 : i32
        %dma_wait3A_68 = tpu.memref_slice %arg9[%add3A_28, %dma_wait3A_67] : memref<10240x128xf32, #tpu.memory_space<hbm>> -> memref<160x128xf32, #tpu.memory_space<hbm>>
        tpu.wait_dma2 semaphore(%run_scoped3A : memref<!tpu.dma_semaphore, #tpu.memory_space<semaphore_mem>>) src(%arg14 : memref<160x128xf32, #tpu.memory_space<vmem>>) dst(%dma_wait3A_68 : memref<160x128xf32, #tpu.memory_space<hbm>>)
        tpu.yield
      }) : () -> ()
    } else {
    }
    %add3A_39 = arith.constant 320 : i32
    %add3A_40 = arith.addi %mul3A_0, %add3A_39 : i32
    %eq3A_41 = arith.constant 0 : i32
    %eq3A_42 = arith.cmpi eq, %arg0, %eq3A_41 : i32
    %convert_element_type3A_43 = arith.extui %eq3A_42 : i1 to i32
    %cond3A_44 = arith.constant 0 : i32
    %cond3A_45 = arith.cmpi ne, %convert_element_type3A_43, %cond3A_44 : i32
    scf.if %cond3A_45 {
      "tpu.region"() ({
        %run_scoped3A = tpu.sem_alloc : memref<!tpu.dma_semaphore, #tpu.memory_space<semaphore_mem>>
        %dma_start3A = arith.constant 0 : i32
        %dma_start3A_63 = tpu.memref_slice %arg16[%add3A_40, %dma_start3A] : memref<10240x128xf32, #tpu.memory_space<vmem_shared>> -> memref<160x128xf32, #tpu.memory_space<vmem_shared>>
        %dma_start3A_64 = arith.constant 0 : i32
        %dma_start3A_65 = tpu.memref_slice %arg16[%add3A_40, %dma_start3A_64] : memref<10240x128xf32, #tpu.memory_space<vmem_shared>> -> memref<160x128xf32, #tpu.memory_space<vmem_shared>>
        tpu.enqueue_dma source(%dma_start3A_65 : memref<160x128xf32, #tpu.memory_space<vmem_shared>>) target(%arg14 : memref<160x128xf32, #tpu.memory_space<vmem>>) target_semaphore(%run_scoped3A : memref<!tpu.dma_semaphore, #tpu.memory_space<semaphore_mem>>)
        %dma_wait3A = arith.constant 0 : i32
        %dma_wait3A_66 = tpu.memref_slice %arg16[%add3A_40, %dma_wait3A] : memref<10240x128xf32, #tpu.memory_space<vmem_shared>> -> memref<160x128xf32, #tpu.memory_space<vmem_shared>>
        %dma_wait3A_67 = arith.constant 0 : i32
        %dma_wait3A_68 = tpu.memref_slice %arg16[%add3A_40, %dma_wait3A_67] : memref<10240x128xf32, #tpu.memory_space<vmem_shared>> -> memref<160x128xf32, #tpu.memory_space<vmem_shared>>
        tpu.wait_dma2 semaphore(%run_scoped3A : memref<!tpu.dma_semaphore, #tpu.memory_space<semaphore_mem>>) src(%dma_wait3A_68 : memref<160x128xf32, #tpu.memory_space<vmem_shared>>) dst(%arg14 : memref<160x128xf32, #tpu.memory_space<vmem>>)
        tpu.yield
      }) : () -> ()
      "tpu.region"() ({
        %run_scoped3A = tpu.sem_alloc : memref<!tpu.dma_semaphore, #tpu.memory_space<semaphore_mem>>
        %dma_start3A = arith.constant 0 : i32
        %dma_start3A_63 = tpu.memref_slice %arg8[%add3A_40, %dma_start3A] : memref<10240x128xf32, #tpu.memory_space<hbm>> -> memref<160x128xf32, #tpu.memory_space<hbm>>
        %dma_start3A_64 = arith.constant 0 : i32
        %dma_start3A_65 = tpu.memref_slice %arg8[%add3A_40, %dma_start3A_64] : memref<10240x128xf32, #tpu.memory_space<hbm>> -> memref<160x128xf32, #tpu.memory_space<hbm>>
        tpu.enqueue_dma source(%arg14 : memref<160x128xf32, #tpu.memory_space<vmem>>) target(%dma_start3A_65 : memref<160x128xf32, #tpu.memory_space<hbm>>) target_semaphore(%run_scoped3A : memref<!tpu.dma_semaphore, #tpu.memory_space<semaphore_mem>>)
        %dma_wait3A = arith.constant 0 : i32
        %dma_wait3A_66 = tpu.memref_slice %arg8[%add3A_40, %dma_wait3A] : memref<10240x128xf32, #tpu.memory_space<hbm>> -> memref<160x128xf32, #tpu.memory_space<hbm>>
        %dma_wait3A_67 = arith.constant 0 : i32
        %dma_wait3A_68 = tpu.memref_slice %arg8[%add3A_40, %dma_wait3A_67] : memref<10240x128xf32, #tpu.memory_space<hbm>> -> memref<160x128xf32, #tpu.memory_space<hbm>>
        tpu.wait_dma2 semaphore(%run_scoped3A : memref<!tpu.dma_semaphore, #tpu.memory_space<semaphore_mem>>) src(%arg14 : memref<160x128xf32, #tpu.memory_space<vmem>>) dst(%dma_wait3A_68 : memref<160x128xf32, #tpu.memory_space<hbm>>)
        tpu.yield
      }) : () -> ()
    } else {
    }
    %eq3A_46 = arith.constant 1 : i32
    %eq3A_47 = arith.cmpi eq, %arg0, %eq3A_46 : i32
    %convert_element_type3A_48 = arith.extui %eq3A_47 : i1 to i32
    %cond3A_49 = arith.constant 0 : i32
    %cond3A_50 = arith.cmpi ne, %convert_element_type3A_48, %cond3A_49 : i32
    scf.if %cond3A_50 {
      "tpu.region"() ({
        %run_scoped3A = tpu.sem_alloc : memref<!tpu.dma_semaphore, #tpu.memory_space<semaphore_mem>>
        %dma_start3A = arith.constant 0 : i32
        %dma_start3A_63 = tpu.memref_slice %arg16[%add3A_40, %dma_start3A] : memref<10240x128xf32, #tpu.memory_space<vmem_shared>> -> memref<160x128xf32, #tpu.memory_space<vmem_shared>>
        %dma_start3A_64 = arith.constant 0 : i32
        %dma_start3A_65 = tpu.memref_slice %arg16[%add3A_40, %dma_start3A_64] : memref<10240x128xf32, #tpu.memory_space<vmem_shared>> -> memref<160x128xf32, #tpu.memory_space<vmem_shared>>
        tpu.enqueue_dma source(%dma_start3A_65 : memref<160x128xf32, #tpu.memory_space<vmem_shared>>) target(%arg14 : memref<160x128xf32, #tpu.memory_space<vmem>>) target_semaphore(%run_scoped3A : memref<!tpu.dma_semaphore, #tpu.memory_space<semaphore_mem>>)
        %dma_wait3A = arith.constant 0 : i32
        %dma_wait3A_66 = tpu.memref_slice %arg16[%add3A_40, %dma_wait3A] : memref<10240x128xf32, #tpu.memory_space<vmem_shared>> -> memref<160x128xf32, #tpu.memory_space<vmem_shared>>
        %dma_wait3A_67 = arith.constant 0 : i32
        %dma_wait3A_68 = tpu.memref_slice %arg16[%add3A_40, %dma_wait3A_67] : memref<10240x128xf32, #tpu.memory_space<vmem_shared>> -> memref<160x128xf32, #tpu.memory_space<vmem_shared>>
        tpu.wait_dma2 semaphore(%run_scoped3A : memref<!tpu.dma_semaphore, #tpu.memory_space<semaphore_mem>>) src(%dma_wait3A_68 : memref<160x128xf32, #tpu.memory_space<vmem_shared>>) dst(%arg14 : memref<160x128xf32, #tpu.memory_space<vmem>>)
        tpu.yield
      }) : () -> ()
      "tpu.region"() ({
        %run_scoped3A = tpu.sem_alloc : memref<!tpu.dma_semaphore, #tpu.memory_space<semaphore_mem>>
        %dma_start3A = arith.constant 0 : i32
        %dma_start3A_63 = tpu.memref_slice %arg9[%add3A_40, %dma_start3A] : memref<10240x128xf32, #tpu.memory_space<hbm>> -> memref<160x128xf32, #tpu.memory_space<hbm>>
        %dma_start3A_64 = arith.constant 0 : i32
        %dma_start3A_65 = tpu.memref_slice %arg9[%add3A_40, %dma_start3A_64] : memref<10240x128xf32, #tpu.memory_space<hbm>> -> memref<160x128xf32, #tpu.memory_space<hbm>>
        tpu.enqueue_dma source(%arg14 : memref<160x128xf32, #tpu.memory_space<vmem>>) target(%dma_start3A_65 : memref<160x128xf32, #tpu.memory_space<hbm>>) target_semaphore(%run_scoped3A : memref<!tpu.dma_semaphore, #tpu.memory_space<semaphore_mem>>)
        %dma_wait3A = arith.constant 0 : i32
        %dma_wait3A_66 = tpu.memref_slice %arg9[%add3A_40, %dma_wait3A] : memref<10240x128xf32, #tpu.memory_space<hbm>> -> memref<160x128xf32, #tpu.memory_space<hbm>>
        %dma_wait3A_67 = arith.constant 0 : i32
        %dma_wait3A_68 = tpu.memref_slice %arg9[%add3A_40, %dma_wait3A_67] : memref<10240x128xf32, #tpu.memory_space<hbm>> -> memref<160x128xf32, #tpu.memory_space<hbm>>
        tpu.wait_dma2 semaphore(%run_scoped3A : memref<!tpu.dma_semaphore, #tpu.memory_space<semaphore_mem>>) src(%arg14 : memref<160x128xf32, #tpu.memory_space<vmem>>) dst(%dma_wait3A_68 : memref<160x128xf32, #tpu.memory_space<hbm>>)
        tpu.yield
      }) : () -> ()
    } else {
    }
    %add3A_51 = arith.constant 480 : i32
    %add3A_52 = arith.addi %mul3A_0, %add3A_51 : i32
    %eq3A_53 = arith.constant 0 : i32
    %eq3A_54 = arith.cmpi eq, %arg0, %eq3A_53 : i32
    %convert_element_type3A_55 = arith.extui %eq3A_54 : i1 to i32
    %cond3A_56 = arith.constant 0 : i32
    %cond3A_57 = arith.cmpi ne, %convert_element_type3A_55, %cond3A_56 : i32
    scf.if %cond3A_57 {
      "tpu.region"() ({
        %run_scoped3A = tpu.sem_alloc : memref<!tpu.dma_semaphore, #tpu.memory_space<semaphore_mem>>
        %dma_start3A = arith.constant 0 : i32
        %dma_start3A_63 = tpu.memref_slice %arg16[%add3A_52, %dma_start3A] : memref<10240x128xf32, #tpu.memory_space<vmem_shared>> -> memref<160x128xf32, #tpu.memory_space<vmem_shared>>
        %dma_start3A_64 = arith.constant 0 : i32
        %dma_start3A_65 = tpu.memref_slice %arg16[%add3A_52, %dma_start3A_64] : memref<10240x128xf32, #tpu.memory_space<vmem_shared>> -> memref<160x128xf32, #tpu.memory_space<vmem_shared>>
        tpu.enqueue_dma source(%dma_start3A_65 : memref<160x128xf32, #tpu.memory_space<vmem_shared>>) target(%arg14 : memref<160x128xf32, #tpu.memory_space<vmem>>) target_semaphore(%run_scoped3A : memref<!tpu.dma_semaphore, #tpu.memory_space<semaphore_mem>>)
        %dma_wait3A = arith.constant 0 : i32
        %dma_wait3A_66 = tpu.memref_slice %arg16[%add3A_52, %dma_wait3A] : memref<10240x128xf32, #tpu.memory_space<vmem_shared>> -> memref<160x128xf32, #tpu.memory_space<vmem_shared>>
        %dma_wait3A_67 = arith.constant 0 : i32
        %dma_wait3A_68 = tpu.memref_slice %arg16[%add3A_52, %dma_wait3A_67] : memref<10240x128xf32, #tpu.memory_space<vmem_shared>> -> memref<160x128xf32, #tpu.memory_space<vmem_shared>>
        tpu.wait_dma2 semaphore(%run_scoped3A : memref<!tpu.dma_semaphore, #tpu.memory_space<semaphore_mem>>) src(%dma_wait3A_68 : memref<160x128xf32, #tpu.memory_space<vmem_shared>>) dst(%arg14 : memref<160x128xf32, #tpu.memory_space<vmem>>)
        tpu.yield
      }) : () -> ()
      "tpu.region"() ({
        %run_scoped3A = tpu.sem_alloc : memref<!tpu.dma_semaphore, #tpu.memory_space<semaphore_mem>>
        %dma_start3A = arith.constant 0 : i32
        %dma_start3A_63 = tpu.memref_slice %arg8[%add3A_52, %dma_start3A] : memref<10240x128xf32, #tpu.memory_space<hbm>> -> memref<160x128xf32, #tpu.memory_space<hbm>>
        %dma_start3A_64 = arith.constant 0 : i32
        %dma_start3A_65 = tpu.memref_slice %arg8[%add3A_52, %dma_start3A_64] : memref<10240x128xf32, #tpu.memory_space<hbm>> -> memref<160x128xf32, #tpu.memory_space<hbm>>
        tpu.enqueue_dma source(%arg14 : memref<160x128xf32, #tpu.memory_space<vmem>>) target(%dma_start3A_65 : memref<160x128xf32, #tpu.memory_space<hbm>>) target_semaphore(%run_scoped3A : memref<!tpu.dma_semaphore, #tpu.memory_space<semaphore_mem>>)
        %dma_wait3A = arith.constant 0 : i32
        %dma_wait3A_66 = tpu.memref_slice %arg8[%add3A_52, %dma_wait3A] : memref<10240x128xf32, #tpu.memory_space<hbm>> -> memref<160x128xf32, #tpu.memory_space<hbm>>
        %dma_wait3A_67 = arith.constant 0 : i32
        %dma_wait3A_68 = tpu.memref_slice %arg8[%add3A_52, %dma_wait3A_67] : memref<10240x128xf32, #tpu.memory_space<hbm>> -> memref<160x128xf32, #tpu.memory_space<hbm>>
        tpu.wait_dma2 semaphore(%run_scoped3A : memref<!tpu.dma_semaphore, #tpu.memory_space<semaphore_mem>>) src(%arg14 : memref<160x128xf32, #tpu.memory_space<vmem>>) dst(%dma_wait3A_68 : memref<160x128xf32, #tpu.memory_space<hbm>>)
        tpu.yield
      }) : () -> ()
    } else {
    }
    %eq3A_58 = arith.constant 1 : i32
    %eq3A_59 = arith.cmpi eq, %arg0, %eq3A_58 : i32
    %convert_element_type3A_60 = arith.extui %eq3A_59 : i1 to i32
    %cond3A_61 = arith.constant 0 : i32
    %cond3A_62 = arith.cmpi ne, %convert_element_type3A_60, %cond3A_61 : i32
    scf.if %cond3A_62 {
      "tpu.region"() ({
        %run_scoped3A = tpu.sem_alloc : memref<!tpu.dma_semaphore, #tpu.memory_space<semaphore_mem>>
        %dma_start3A = arith.constant 0 : i32
        %dma_start3A_63 = tpu.memref_slice %arg16[%add3A_52, %dma_start3A] : memref<10240x128xf32, #tpu.memory_space<vmem_shared>> -> memref<160x128xf32, #tpu.memory_space<vmem_shared>>
        %dma_start3A_64 = arith.constant 0 : i32
        %dma_start3A_65 = tpu.memref_slice %arg16[%add3A_52, %dma_start3A_64] : memref<10240x128xf32, #tpu.memory_space<vmem_shared>> -> memref<160x128xf32, #tpu.memory_space<vmem_shared>>
        tpu.enqueue_dma source(%dma_start3A_65 : memref<160x128xf32, #tpu.memory_space<vmem_shared>>) target(%arg14 : memref<160x128xf32, #tpu.memory_space<vmem>>) target_semaphore(%run_scoped3A : memref<!tpu.dma_semaphore, #tpu.memory_space<semaphore_mem>>)
        %dma_wait3A = arith.constant 0 : i32
        %dma_wait3A_66 = tpu.memref_slice %arg16[%add3A_52, %dma_wait3A] : memref<10240x128xf32, #tpu.memory_space<vmem_shared>> -> memref<160x128xf32, #tpu.memory_space<vmem_shared>>
        %dma_wait3A_67 = arith.constant 0 : i32
        %dma_wait3A_68 = tpu.memref_slice %arg16[%add3A_52, %dma_wait3A_67] : memref<10240x128xf32, #tpu.memory_space<vmem_shared>> -> memref<160x128xf32, #tpu.memory_space<vmem_shared>>
        tpu.wait_dma2 semaphore(%run_scoped3A : memref<!tpu.dma_semaphore, #tpu.memory_space<semaphore_mem>>) src(%dma_wait3A_68 : memref<160x128xf32, #tpu.memory_space<vmem_shared>>) dst(%arg14 : memref<160x128xf32, #tpu.memory_space<vmem>>)
        tpu.yield
      }) : () -> ()
      "tpu.region"() ({
        %run_scoped3A = tpu.sem_alloc : memref<!tpu.dma_semaphore, #tpu.memory_space<semaphore_mem>>
        %dma_start3A = arith.constant 0 : i32
        %dma_start3A_63 = tpu.memref_slice %arg9[%add3A_52, %dma_start3A] : memref<10240x128xf32, #tpu.memory_space<hbm>> -> memref<160x128xf32, #tpu.memory_space<hbm>>
        %dma_start3A_64 = arith.constant 0 : i32
        %dma_start3A_65 = tpu.memref_slice %arg9[%add3A_52, %dma_start3A_64] : memref<10240x128xf32, #tpu.memory_space<hbm>> -> memref<160x128xf32, #tpu.memory_space<hbm>>
        tpu.enqueue_dma source(%arg14 : memref<160x128xf32, #tpu.memory_space<vmem>>) target(%dma_start3A_65 : memref<160x128xf32, #tpu.memory_space<hbm>>) target_semaphore(%run_scoped3A : memref<!tpu.dma_semaphore, #tpu.memory_space<semaphore_mem>>)
        %dma_wait3A = arith.constant 0 : i32
        %dma_wait3A_66 = tpu.memref_slice %arg9[%add3A_52, %dma_wait3A] : memref<10240x128xf32, #tpu.memory_space<hbm>> -> memref<160x128xf32, #tpu.memory_space<hbm>>
        %dma_wait3A_67 = arith.constant 0 : i32
        %dma_wait3A_68 = tpu.memref_slice %arg9[%add3A_52, %dma_wait3A_67] : memref<10240x128xf32, #tpu.memory_space<hbm>> -> memref<160x128xf32, #tpu.memory_space<hbm>>
        tpu.wait_dma2 semaphore(%run_scoped3A : memref<!tpu.dma_semaphore, #tpu.memory_space<semaphore_mem>>) src(%arg14 : memref<160x128xf32, #tpu.memory_space<vmem>>) dst(%dma_wait3A_68 : memref<160x128xf32, #tpu.memory_space<hbm>>)
        tpu.yield
      }) : () -> ()
    } else {
    }
    return
  }
}

module attributes {stable_mosaic.version = 14 : i64} {
  func.func @_prep_body(%arg0: i32, %arg1: i32, %arg2: memref<1000x128xf32, #tpu.memory_space<vmem>>, %arg3: memref<128x128xf32, #tpu.memory_space<vmem>>, %arg4: memref<128x128xf32, #tpu.memory_space<vmem>>, %arg5: memref<1000x128xf32, #tpu.memory_space<vmem>>, %arg6: memref<1000x128xf32, #tpu.memory_space<vmem>>, %arg7: memref<1000x128xf32, #tpu.memory_space<vmem>>) attributes {dimension_semantics = [#tpu.dimension_semantics<arbitrary>, #tpu.dimension_semantics<arbitrary>], iteration_bounds = array<i64: 2, 10>, scalar_prefetch = 0 : i64, scratch_operands = 0 : i64, tpu.core_type = #tpu.core_type<tc>, window_params = [{transform_indices = @transform_0, window_bounds = array<i64: 1000, 128>}, {pipeline_mode = #tpu.pipeline_mode<synchronous>, transform_indices = @transform_1, window_bounds = array<i64: 128, 128>}, {pipeline_mode = #tpu.pipeline_mode<synchronous>, transform_indices = @transform_2, window_bounds = array<i64: 128, 128>}, {transform_indices = @transform_3, window_bounds = array<i64: 1000, 128>}, {transform_indices = @transform_4, window_bounds = array<i64: 1000, 128>}, {transform_indices = @transform_5, window_bounds = array<i64: 1000, 128>}]} {
    %eq3A = arith.constant 0 : i32
    %eq3A_0 = arith.cmpi eq, %arg0, %eq3A : i32
    %jit3A = arith.constant 1.000000e+00 : f32
    %jit3A_1 = arith.constant -1.000000e+00 : f32
    %select_n3A = arith.select %eq3A_0, %jit3A, %jit3A_1 : f32
    %get3A = arith.constant 0 : index
    %get3A_2 = arith.constant 0 : index
    %get3A_3 = vector.load %arg3[%get3A, %get3A_2] : memref<128x128xf32, #tpu.memory_space<vmem>>, vector<128x128xf32>
    %get3A_4 = arith.constant 0 : index
    %get3A_5 = arith.constant 0 : index
    %get3A_6 = vector.load %arg4[%get3A_4, %get3A_5] : memref<128x128xf32, #tpu.memory_space<vmem>>, vector<128x128xf32>
    %add3A = arith.addf %get3A_3, %get3A_6 : vector<128x128xf32>
    %mul3A = arith.constant 5.000000e-01 : f32
    %mul3A_7 = vector.broadcast %mul3A : f32 to vector<128x128xf32>
    %mul3A_8 = arith.mulf %mul3A_7, %add3A : vector<128x128xf32>
    %get3A_9 = arith.constant 0 : index
    %get3A_10 = arith.constant 0 : index
    %get3A_11 = vector.load %arg5[%get3A_9, %get3A_10] : memref<1000x128xf32, #tpu.memory_space<vmem>>, vector<1000x1xf32>
    %get3A_12 = arith.constant 0 : index
    %get3A_13 = arith.constant 0 : index
    %get3A_14 = vector.load %arg6[%get3A_12, %get3A_13] : memref<1000x128xf32, #tpu.memory_space<vmem>>, vector<1000x1xf32>
    %add3A_15 = arith.addf %get3A_11, %get3A_14 : vector<1000x1xf32>
    %mul3A_16 = arith.constant 5.000000e-01 : f32
    %mul3A_17 = vector.broadcast %mul3A_16 : f32 to vector<1000x1xf32>
    %mul3A_18 = arith.mulf %mul3A_17, %add3A_15 : vector<1000x1xf32>
    %gt3A = arith.constant 0.000000e+00 : f32
    %gt3A_19 = vector.broadcast %gt3A : f32 to vector<1000x1xf32>
    %gt3A_20 = arith.cmpf ogt, %mul3A_18, %gt3A_19 : vector<1000x1xf32>
    %gt3A_21 = arith.constant 0.000000e+00 : f32
    %gt3A_22 = vector.broadcast %gt3A_21 : f32 to vector<1000x1xf32>
    %gt3A_23 = arith.cmpf ogt, %mul3A_18, %gt3A_22 : vector<1000x1xf32>
    %jit3A_24 = arith.constant 1.000000e+00 : f32
    %broadcast_in_dim3A = vector.broadcast %jit3A_24 : f32 to vector<1000x1xf32>
    %select_n3A_25 = arith.select %gt3A_23, %mul3A_18, %broadcast_in_dim3A : vector<1000x1xi1>, vector<1000x1xf32>
    %sqrt3A = math.sqrt %select_n3A_25 : vector<1000x1xf32>
    %div3A = arith.constant 1.000000e+00 : f32
    %div3A_26 = vector.broadcast %div3A : f32 to vector<1000x1xf32>
    %div3A_27 = arith.divf %div3A_26, %sqrt3A : vector<1000x1xf32>
    %jit3A_28 = arith.constant 0.000000e+00 : f32
    %broadcast_in_dim3A_29 = vector.broadcast %jit3A_28 : f32 to vector<1000x1xf32>
    %select_n3A_30 = arith.select %gt3A_20, %div3A_27, %broadcast_in_dim3A_29 : vector<1000x1xi1>, vector<1000x1xf32>
    %get3A_31 = arith.constant 0 : index
    %get3A_32 = arith.constant 0 : index
    %get3A_33 = vector.load %arg2[%get3A_31, %get3A_32] : memref<1000x128xf32, #tpu.memory_space<vmem>>, vector<1000x128xf32>
    %dot_general3A = arith.constant dense<0.000000e+00> : vector<1000x128xf32>
    %dot_general3A_34 = tpu.matmul %get3A_33, %mul3A_8, %dot_general3A {dimension_numbers = #tpu.dot_dimension_numbers<[1], [0], [0], [1], [0, 0, 1, 1], [], []>, transpose_lhs_hint = false} : vector<1000x128xf32>, vector<128x128xf32>, vector<1000x128xf32> -> vector<1000x128xf32>
    %mul3A_35 = vector.broadcast %select_n3A : f32 to vector<1000x1xf32>
    %mul3A_36 = arith.mulf %mul3A_35, %select_n3A_30 : vector<1000x1xf32>
    %mul3A_37 = vector.broadcast %mul3A_36 : vector<1000x1xf32> to vector<1000x128xf32>
    %mul3A_38 = arith.mulf %mul3A_37, %dot_general3A_34 : vector<1000x128xf32>
    %swap3A = arith.constant 0 : index
    %swap3A_39 = arith.constant 0 : index
    %swap3A_40 = vector.load %arg7[%swap3A, %swap3A_39] : memref<1000x128xf32, #tpu.memory_space<vmem>>, vector<1000x128xf32>
    tpu.vector_store %arg7[%swap3A, %swap3A_39], %mul3A_38 {strides = array<i32>} : memref<1000x128xf32, #tpu.memory_space<vmem>>, vector<1000x128xf32>,
    return
  }
  func.func @transform_0(%arg0: i32, %arg1: i32) -> (i32, i32) {
    %c0_i32 = arith.constant 0 : i32
    %c0_i32_0 = arith.constant 0 : i32
    return %arg1, %c0_i32 : i32, i32
  }
  func.func @transform_1(%arg0: i32, %arg1: i32) -> (i32, i32) {
    %c0_i32 = arith.constant 0 : i32
    %c0_i32_0 = arith.constant 0 : i32
    %c0_i32_1 = arith.constant 0 : i32
    return %c0_i32, %c0_i32_0 : i32, i32
  }
  func.func @transform_2(%arg0: i32, %arg1: i32) -> (i32, i32) {
    %c0_i32 = arith.constant 0 : i32
    %c0_i32_0 = arith.constant 0 : i32
    %c0_i32_1 = arith.constant 0 : i32
    return %c0_i32, %c0_i32_0 : i32, i32
  }
  func.func @transform_3(%arg0: i32, %arg1: i32) -> (i32, i32) {
    %c0_i32 = arith.constant 0 : i32
    %c0_i32_0 = arith.constant 0 : i32
    return %arg1, %c0_i32 : i32, i32
  }
  func.func @transform_4(%arg0: i32, %arg1: i32) -> (i32, i32) {
    %c0_i32 = arith.constant 0 : i32
    %c0_i32_0 = arith.constant 0 : i32
    return %arg1, %c0_i32 : i32, i32
  }
  func.func @transform_5(%arg0: i32, %arg1: i32) -> (i32, i32) {
    %mul3A = arith.constant 10 : i32
    %mul3A_0 = arith.muli %arg0, %mul3A : i32
    %add3A = arith.addi %mul3A_0, %arg1 : i32
    %c0_i32 = arith.constant 0 : i32
    %c0_i32_1 = arith.constant 0 : i32
    return %add3A, %c0_i32 : i32, i32
  }
}

module attributes {stable_mosaic.version = 14 : i64} {
  func.func @_epi_body(%arg0: i32, %arg1: memref<1000x128xf32, #tpu.memory_space<vmem>>, %arg2: memref<1000x128xf32, #tpu.memory_space<vmem>>, %arg3: memref<1000x128xf32, #tpu.memory_space<vmem>>, %arg4: memref<1000x128xf32, #tpu.memory_space<vmem>>, %arg5: memref<1x128xf32, #tpu.memory_space<vmem>>, %arg6: memref<1x128xf32, #tpu.memory_space<vmem>>, %arg7: memref<1000x256xf32, #tpu.memory_space<vmem>>) attributes {dimension_semantics = [#tpu.dimension_semantics<arbitrary>], iteration_bounds = array<i64: 10>, scalar_prefetch = 0 : i64, scratch_operands = 0 : i64, tpu.core_type = #tpu.core_type<tc>, window_params = [{transform_indices = @transform_0, window_bounds = array<i64: 1000, 128>}, {transform_indices = @transform_1, window_bounds = array<i64: 1000, 128>}, {transform_indices = @transform_2, window_bounds = array<i64: 1000, 128>}, {transform_indices = @transform_3, window_bounds = array<i64: 1000, 128>}, {pipeline_mode = #tpu.pipeline_mode<synchronous>, transform_indices = @transform_4, window_bounds = array<i64: 1, 128>}, {pipeline_mode = #tpu.pipeline_mode<synchronous>, transform_indices = @transform_5, window_bounds = array<i64: 1, 128>}, {transform_indices = @transform_6, window_bounds = array<i64: 1000, 256>}]} {
    %get3A = arith.constant 0 : index
    %get3A_0 = arith.constant 0 : index
    %get3A_1 = vector.load %arg3[%get3A, %get3A_0] : memref<1000x128xf32, #tpu.memory_space<vmem>>, vector<1000x1xf32>
    %get3A_2 = arith.constant 0 : index
    %get3A_3 = arith.constant 0 : index
    %get3A_4 = vector.load %arg4[%get3A_2, %get3A_3] : memref<1000x128xf32, #tpu.memory_space<vmem>>, vector<1000x1xf32>
    %add3A = arith.addf %get3A_1, %get3A_4 : vector<1000x1xf32>
    %mul3A = arith.constant 5.000000e-01 : f32
    %mul3A_5 = vector.broadcast %mul3A : f32 to vector<1000x1xf32>
    %mul3A_6 = arith.mulf %mul3A_5, %add3A : vector<1000x1xf32>
    %gt3A = arith.constant 0.000000e+00 : f32
    %gt3A_7 = vector.broadcast %gt3A : f32 to vector<1000x1xf32>
    %gt3A_8 = arith.cmpf ogt, %mul3A_6, %gt3A_7 : vector<1000x1xf32>
    %gt3A_9 = arith.constant 0.000000e+00 : f32
    %gt3A_10 = vector.broadcast %gt3A_9 : f32 to vector<1000x1xf32>
    %gt3A_11 = arith.cmpf ogt, %mul3A_6, %gt3A_10 : vector<1000x1xf32>
    %jit3A = arith.constant 1.000000e+00 : f32
    %broadcast_in_dim3A = vector.broadcast %jit3A : f32 to vector<1000x1xf32>
    %select_n3A = arith.select %gt3A_11, %mul3A_6, %broadcast_in_dim3A : vector<1000x1xi1>, vector<1000x1xf32>
    %sqrt3A = math.sqrt %select_n3A : vector<1000x1xf32>
    %div3A = arith.constant 1.000000e+00 : f32
    %div3A_12 = vector.broadcast %div3A : f32 to vector<1000x1xf32>
    %div3A_13 = arith.divf %div3A_12, %sqrt3A : vector<1000x1xf32>
    %jit3A_14 = arith.constant 0.000000e+00 : f32
    %broadcast_in_dim3A_15 = vector.broadcast %jit3A_14 : f32 to vector<1000x1xf32>
    %select_n3A_16 = arith.select %gt3A_8, %div3A_13, %broadcast_in_dim3A_15 : vector<1000x1xi1>, vector<1000x1xf32>
    %mul3A_17 = arith.constant 5.000000e-01 : f32
    %mul3A_18 = vector.broadcast %mul3A_17 : f32 to vector<1000x1xf32>
    %mul3A_19 = arith.mulf %mul3A_18, %select_n3A_16 : vector<1000x1xf32>
    %get3A_20 = arith.constant 0 : index
    %get3A_21 = arith.constant 0 : index
    %get3A_22 = vector.load %arg5[%get3A_20, %get3A_21] : memref<1x128xf32, #tpu.memory_space<vmem>>, vector<1x128xf32>
    %get3A_23 = arith.constant 0 : index
    %get3A_24 = arith.constant 0 : index
    %get3A_25 = vector.load %arg6[%get3A_23, %get3A_24] : memref<1x128xf32, #tpu.memory_space<vmem>>, vector<1x128xf32>
    %add3A_26 = arith.addf %get3A_22, %get3A_25 : vector<1x128xf32>
    %mul3A_27 = arith.constant 5.000000e-01 : f32
    %mul3A_28 = vector.broadcast %mul3A_27 : f32 to vector<1x128xf32>
    %mul3A_29 = arith.mulf %mul3A_28, %add3A_26 : vector<1x128xf32>
    %get3A_30 = arith.constant 0 : index
    %get3A_31 = arith.constant 0 : index
    %get3A_32 = vector.load %arg1[%get3A_30, %get3A_31] : memref<1000x128xf32, #tpu.memory_space<vmem>>, vector<1000x128xf32>
    %mul3A_33 = vector.broadcast %mul3A_19 : vector<1000x1xf32> to vector<1000x128xf32>
    %mul3A_34 = arith.mulf %mul3A_33, %get3A_32 : vector<1000x128xf32>
    %add3A_35 = vector.broadcast %mul3A_29 : vector<1x128xf32> to vector<1000x128xf32>
    %add3A_36 = arith.addf %mul3A_34, %add3A_35 : vector<1000x128xf32>
    %swap3A = arith.constant 0 : index
    %swap3A_37 = arith.constant 0 : index
    %swap3A_38 = vector.load %arg7[%swap3A, %swap3A_37] : memref<1000x256xf32, #tpu.memory_space<vmem>>, vector<1000x128xf32>
    tpu.vector_store %arg7[%swap3A, %swap3A_37], %add3A_36 {strides = array<i32>} : memref<1000x256xf32, #tpu.memory_space<vmem>>, vector<1000x128xf32>,
    %get3A_39 = arith.constant 0 : index
    %get3A_40 = arith.constant 0 : index
    %get3A_41 = vector.load %arg2[%get3A_39, %get3A_40] : memref<1000x128xf32, #tpu.memory_space<vmem>>, vector<1000x128xf32>
    %mul3A_42 = vector.broadcast %mul3A_19 : vector<1000x1xf32> to vector<1000x128xf32>
    %mul3A_43 = arith.mulf %mul3A_42, %get3A_41 : vector<1000x128xf32>
    %add3A_44 = vector.broadcast %mul3A_29 : vector<1x128xf32> to vector<1000x128xf32>
    %add3A_45 = arith.addf %mul3A_43, %add3A_44 : vector<1000x128xf32>
    %swap3A_46 = arith.constant 0 : index
    %swap3A_47 = arith.constant 128 : index
    %swap3A_48 = vector.load %arg7[%swap3A_46, %swap3A_47] : memref<1000x256xf32, #tpu.memory_space<vmem>>, vector<1000x128xf32>
    tpu.vector_store %arg7[%swap3A_46, %swap3A_47], %add3A_45 {strides = array<i32>} : memref<1000x256xf32, #tpu.memory_space<vmem>>, vector<1000x128xf32>,
    return
  }
  func.func @transform_0(%arg0: i32) -> (i32, i32) {
    %c0_i32 = arith.constant 0 : i32
    %c0_i32_0 = arith.constant 0 : i32
    return %arg0, %c0_i32 : i32, i32
  }
  func.func @transform_1(%arg0: i32) -> (i32, i32) {
    %c0_i32 = arith.constant 0 : i32
    %c0_i32_0 = arith.constant 0 : i32
    return %arg0, %c0_i32 : i32, i32
  }
  func.func @transform_2(%arg0: i32) -> (i32, i32) {
    %c0_i32 = arith.constant 0 : i32
    %c0_i32_0 = arith.constant 0 : i32
    return %arg0, %c0_i32 : i32, i32
  }
  func.func @transform_3(%arg0: i32) -> (i32, i32) {
    %c0_i32 = arith.constant 0 : i32
    %c0_i32_0 = arith.constant 0 : i32
    return %arg0, %c0_i32 : i32, i32
  }
  func.func @transform_4(%arg0: i32) -> (i32, i32) {
    %c0_i32 = arith.constant 0 : i32
    %c0_i32_0 = arith.constant 0 : i32
    %c0_i32_1 = arith.constant 0 : i32
    return %c0_i32, %c0_i32_0 : i32, i32
  }
  func.func @transform_5(%arg0: i32) -> (i32, i32) {
    %c0_i32 = arith.constant 0 : i32
    %c0_i32_0 = arith.constant 0 : i32
    %c0_i32_1 = arith.constant 0 : i32
    return %c0_i32, %c0_i32_0 : i32, i32
  }
  func.func @transform_6(%arg0: i32) -> (i32, i32) {
    %c0_i32 = arith.constant 0 : i32
    %c0_i32_0 = arith.constant 0 : i32
    return %arg0, %c0_i32 : i32, i32
  }
}

</mosaic_0001>

<sc_bundles>
// kernel: gather_offload_async_start.1
scs
__scs_entry_jumppad:
0x0: {  	(pc) =	sbr.rel $0x88, $3  }
0x1: {  	(tag) =	ssettag $0x0;
	lr =	simm.s32 $0x1  }
0x2: {  	[smem:$0x3F9B] =	sst lr;
	_ =	strace $0xD0000000  }
0x3: {  	_ = 	snop  }
0x4: {  	_ = 	snop  }
0x5: {  	_ = 	snop  }
0x6: {  	_ = 	snop  }
0x7: {  	_ = 	snop  }
__scs_overlays_trampoline_lowered:
0x8: {  	[smem:$0x3FAA] =	sst s0  }
0x9: {  	[smem:$0x3FAB] =	sst s1  }
0xa: {  	[smem:$0x3FAC] =	sst s2  }
0xb: {  	[smem:$0x3FAD] =	sst s3  }
0xc: {  	[smem:$0x3FAE] =	sst s4  }
0xd: {  	[smem:$0x3FAF] =	sst s5  }
0xe: {  	[smem:$0x3FB0] =	sst s6  }
0xf: {  	[smem:$0x3FB1] =	sst s7  }
0x10: {  	[smem:$0x3FB2] =	sst s8  }
0x11: {  	[smem:$0x3FB3] =	sst s9;
	s0 =	simm.s32 @!p0 $0x0  }
0x12: {  	s1 =	sld [smem:$0x3F99];
	s0 =	simm.s32 @p0 $0x1  }
0x13: {  	[smem:$0x3FB4] =	sst s0;
	s0 =	simm.s32 @!p1 $0x0  }
0x14: {  	s2 =	sld [smem:$0x3F98];
	s0 =	simm.s32 @p1 $0x1  }
0x15: {  	[smem:$0x3FB5] =	sst s0;
	s0 =	simm.s32 @!p2 $0x0  }
0x16: {  	s3 =	sld [smem:$0x3FDB];
	s0 =	simm.s32 @p2 $0x1  }
0x17: {  	s4 =	simm.s32 $0x1BF5;
	[smem:$0x3FB7] =	sst s0  }
0x18: {  	s0 =	sld [smem:$0x3F9A];
	_ =	swait.ge [sflag:s4], $0x0  }
0x19: {  	s7 =	sld [smem:$0x3F9B]  }
0x1a: {  	s8 =	sadd.s32 $0xFFFFE003, lr  }
0x1b: {  	s9 =	sadd.s32 $0xFFFFFEF7, lr;
	s5 =	simm.s32 $0xFFFFFFFF;
	p2 =	slt.u32 s8, $0xFFFFF086  }
0x1c: {  	p1 =	slt.u32 s9, $0xF7A;
	s5 =	simm.s32 @!p2 $0x0  }
0x1d: {  	s5 =	simm.s32 @p1 $0x1;
	p0 =	seq.s32 s7, s2  }
0x1e: {  	s7 =	smul.u32 @!p0 $0xF7A, s2;
	p2 =	seq.s32 @!p0 s5, $0x0  }
0x1f: {  	s9 =	smul.u32 $0xF7A, s1;
	s8 =	simm.s32 @!p0 $0x1BF5;
	p2 =	por !p2, p0  }
0x20: {  	[sflag:s8] =	ssyncset.s32 @!p0 $0xFFFFF086;
	s6 =	sadd.s32 @!p0 s3, s7;
	s7 =	simm.s32 @!p0 $0x108  }
0x21: {  	s3 =	sadd.s32 s3, s9;
	s6 =	sadd.s32 @!p0 $0x88, s6;
	s7 =	simm.s32 @p2 $0x1082  }
0x22: {  	[simem:s7], [sflag:s8] =	dma.local @!p0 [hbm:s6], $0xF7A  }
0x23: {  	s9 =	sor.u32 $0xD0000000, s2;
	s6 =	simm.s32 $0x108;
	_ =	swait.ge @!p0 [sflag:s8], $0x0  }
0x24: {  	s3 =	sadd.s32 $0x88, s3;
	s6 =	simm.s32 @!p1 $0x1082;
	[sflag:s4] =	ssyncset.s32 $0xFFFFF086  }
0x25: {  	[simem:s6], [sflag:s4] =	dma.local [hbm:s3], $0xF7A  }
0x26: {  	[smem:$0x3F9B] =	sst s1;
	(tag) =	ssettag s2;
	_ =	strace s9  }
0x27: {  	s1 =	sld [smem:$0x3FAB]  }
0x28: {  	s2 =	sld [smem:$0x3FAC]  }
0x29: {  	s4 =	sld [smem:$0x3FAE]  }
0x2a: {  	p0 =	seq.s32 s5, $0x0;
	s5 =	sld [smem:$0x3FAF]  }
0x2b: {  	s6 =	sld [smem:$0x3FB0]  }
0x2c: {  	s7 =	sld [smem:$0x3FB1]  }
0x2d: {  	s3 =	simm.s32 $0x108;
	s8 =	sld [smem:$0x3FB2]  }
0x2e: {  	s3 =	simm.s32 @!p0 $0x1082;
	s9 =	sld [smem:$0x3FB3]  }
0x2f: {  	lr =	sadd.s32 s0, s3;
	s0 =	sld [smem:$0x3FAA]  }
0x30: {  	s3 =	sld [smem:$0x3FAD]  }
0x31: {  	[smem:$0x3FB6] =	sst s10  }
0x32: {  	s10 =	sld [smem:$0x3FB4];
	_ =	sdelay $0x3  }
0x33: {  	p0 =	seq.s32 s10, $0x1;
	s10 =	sld [smem:$0x3FB6];
	_ =	sdelay $0x3  }
0x34: {  	[smem:$0x3FB6] =	sst s10  }
0x35: {  	s10 =	sld [smem:$0x3FB5];
	_ =	sdelay $0x3  }
0x36: {  	p1 =	seq.s32 s10, $0x1;
	s10 =	sld [smem:$0x3FB6];
	_ =	sdelay $0x3  }
0x37: {  	[smem:$0x3FB6] =	sst s10  }
0x38: {  	s10 =	sld [smem:$0x3FB7]  }
0x39: {  	_ = 	snop;
	(pc) =	sbr.ind lr, $3  }
0x3a: {  	_ = 	snop  }
0x3b: {  	_ = 	snop  }
0x3c: {  	p2 =	seq.s32 s10, $0x1;
	s10 =	sld [smem:$0x3FB6]  }
0x3d: {  	_ =	shalt  }
0x3e: {  	_ =	shalt  }
0x3f: {  	_ =	shalt  }
0x40: {  	_ =	shalt  }
0x41: {  	_ =	shalt  }
0x42: {  	_ =	shalt  }
0x43: {  	_ =	shalt  }
0x44: {  	_ =	shalt  }
0x45: {  	_ =	shalt  }
0x46: {  	_ =	shalt  }
0x47: {  	_ =	shalt  }
0x48: {  	_ =	shalt  }
0x49: {  	_ =	shalt  }
0x4a: {  	_ =	shalt  }
0x4b: {  	_ =	shalt  }
0x4c: {  	_ =	shalt  }
0x4d: {  	_ =	shalt  }
0x4e: {  	_ =	shalt  }
0x4f: {  	_ =	shalt  }
0x50: {  	_ =	shalt  }
0x51: {  	_ =	shalt  }
0x52: {  	_ =	shalt  }
0x53: {  	_ =	shalt  }
0x54: {  	_ =	shalt  }
0x55: {  	_ =	shalt  }
0x56: {  	_ =	shalt  }
0x57: {  	_ =	shalt  }
0x58: {  	_ =	shalt  }
0x59: {  	_ =	shalt  }
0x5a: {  	_ =	shalt  }
0x5b: {  	_ =	shalt  }
0x5c: {  	_ =	shalt  }
0x5d: {  	_ =	shalt  }
0x5e: {  	_ =	shalt  }
0x5f: {  	_ =	shalt  }
0x60: {  	_ =	shalt  }
0x61: {  	_ =	shalt  }
0x62: {  	_ =	shalt  }
0x63: {  	_ =	shalt  }
0x64: {  	_ =	shalt  }
0x65: {  	_ =	shalt  }
0x66: {  	_ =	shalt  }
0x67: {  	_ =	shalt  }
0x68: {  	_ =	shalt  }
0x69: {  	_ =	shalt  }
0x6a: {  	_ =	shalt  }
0x6b: {  	_ =	shalt  }
0x6c: {  	_ =	shalt  }
0x6d: {  	_ =	shalt  }
0x6e: {  	_ =	shalt  }
0x6f: {  	_ =	shalt  }
0x70: {  	_ =	shalt  }
0x71: {  	_ =	shalt  }
0x72: {  	_ =	shalt  }
0x73: {  	_ =	shalt  }
0x74: {  	_ =	shalt  }
0x75: {  	_ =	shalt  }
0x76: {  	_ =	shalt  }
0x77: {  	_ =	shalt  }
0x78: {  	_ =	shalt  }
0x79: {  	_ =	shalt  }
0x7a: {  	_ =	shalt  }
0x7b: {  	_ =	shalt  }
0x7c: {  	_ =	shalt  }
0x7d: {  	_ =	shalt  }
0x7e: {  	_ =	shalt  }
0x7f: {  	_ =	shalt  }
0x80: {  	_ =	shalt  }
0x81: {  	_ =	shalt  }
0x82: {  	_ =	shalt  }
0x83: {  	_ =	shalt  }
0x84: {  	_ =	shalt  }
0x85: {  	_ =	shalt  }
0x86: {  	_ =	shalt  }
0x87: {  	_ =	shalt  }
.Lfunc_end0:
.L_simem_size_0:
called_computation.1_lowered:
.L_overlay_start_0:
0x88: {  	s2 =	sld [smem:$0x3FD9]  }
0x89: {  	s3 =	sld [smem:$0x3FFE];
	_ =	sdelay $0x1  }
0x8a: {  	s1 =	srdreg.scid  }
0x8b: {  	s0 =	sand.u32 $0x1, s1  }
0x8c: {  	s16 =	sshll.u32 s0, $0xA;
	s2 =	sadd.s32 s3, s2  }
0x8d: {  	s2 =	sadd.s32 s2, s16  }
0x8e: {  	[smem:$0x3FC2] =	sst s2  }
0x8f: {  	_ = 	snop  }
0x90: {  	(tm) =	ssettm $0x1  }
0x91: {  	s17 =	sld [smem:$0x3FFB];
	_ =	sdelay $0x3  }
0x92: {  	_ =	strace s17  }
0x93: {  	s2 =	sld [smem:$0x3FFC];
	_ =	sdelay $0x3  }
0x94: {  	_ =	strace s2  }
0x95: {  	s2 =	sld [smem:$0x3FFD];
	_ =	sdelay $0x3  }
0x96: {  	_ =	strace s2  }
0x97: {  	_ =	strace $0x8FFFFFFF  }
0x98: {  	s18 =	sld [smem:$0x3FDB];
	_ =	sdelay $0x1  }
0x99: {  	s19 =	simm.s32 $_scs_section_size  }
0x9a: {  	s4 =	simm.s32 $_size__tile_overlayer_lowered;
	s5 =	simm.s32 $_tile_overlayer_lowered  }
0x9b: {  	s22 =	simm.s32 $0x1BFF;
	s21 =	sshll.u32 s5, $0x1;
	s2 =	sadd.s32 s19, s18  }
0x9c: {  	s6 =	simm.s32 $0x0;
	s20 =	sshll.u32 s4, $0x1;
	s4 =	sadd.s32 s21, s2  }
0x9d: {  	[timem:s6], [sflag:s22] =	dma.local [hbm:s4], s20  }
0x9e: {  	_ =	swait.ge [sflag:s22], s20  }
0x9f: {  	s3 =	ssub.s32 $0x0, s20;
	[sflag:s22] =	ssyncset.done $0x0  }
0xa0: {  	[sflag:s22] =	ssyncadd.s32 s3;
	_ =	sdelay $0x1  }
0xa1: {  	s23 =	simm.s32 $0x1B8B  }
0xa2: {  	_ =	swait.ge [sflag:s23], $0x1  }
0xa3: {  	[sflag:s23] =	ssyncset.done $0x0  }
0xa4: {  	s25 =	simm.s32 $0x1B8E;
	s24 =	sld [smem:$0x3FFE];
	[sflag:s23] =	ssyncadd.s32 $0xFFFFFFFF  }
0xa5: {  	s26 =	simm.s32 $execute0_lowered;
	[smem:$0x3FD2] =	sst s25  }
0xa6: {  	s4 =	sshll.u32 s26, $0x1;
	_ =	strace $0x80000046;
	[dreg:$0x1] =	wrdreg $0xFFFFFFFF  }
0xa7: {  	s28 =	simm.s32 $_size_execute0_lowered;
	s2 =	sadd.s32 s2, s4;
	[dreg:$0x0] =	wrdreg $0x0  }
0xa8: {  	s4 =	sshll.u32 s28, $0x1;
	[dreg:$0x2] =	wrdreg s2  }
0xa9: {  	[dreg:$0x3] =	wrdreg s4  }
0xaa: {  	[dreg:$0x4] =	wrdreg $0xC0  }
0xab: {  	_ =	task [dreg:s6], $0x5FFFF  }
0xac: {  	[dreg:$0x1] =	wrdreg $0xFFFFFFFF  }
0xad: {  	[dreg:$0x0] =	wrdreg $0x60  }
0xae: {  	[dreg:$0x2] =	wrdreg s24  }
0xaf: {  	[dreg:$0x3] =	wrdreg $0x9  }
0xb0: {  	_ =	task.clear_ibuf [dreg:s6], $0x4FFFF;
	_ =	strace $0x90000046  }
0xb1: {  	s29 =	simm.s32 $0x9;
	_ =	strace $0x80000048  }
0xb2: {  	_ =	swait.ge [sflag:s29], $0x1  }
0xb3: {  	[sflag:s29] =	ssyncadd.s32 $0xFFFFFFFF  }
0xb4: {  	_ =	strace $0x90000048  }
0xb5: {  	_ =	sfence  }
0xb6: {  	s30 =	sld [smem:$0x0];
	_ =	sdelay $0x2  }
0xb7: {  	s31 =	sshll.u32 s1, $0xD;
	s1 =	sshrl.u32 s1, $0x2  }
0xb8: {  	s3 =	sand.u32 $0x4000, s31;
	s1 =	sadd.s32 s1, s30  }
0xb9: {  	s0 =	sor.u32 s3, s0;
	s1 =	sshll.u32 s1, $0x11  }
0xba: {  	s0 =	sor.u32 s1, s0  }
0xbb: {  	s0 =	sadd.s32 $0x8F2B, s0  }
0xbc: {  	[sflag:s0] =	ssyncadd.remote.s32 $0x1  }
0xbd: {  	_ =	sfence.sel $0xFFFF  }
0xbe: {  	[dreg:$0x0] =	wrdreg $0xFFFFFFFF;
	(pc) =	sbr.abs _section_cstart, $3  }
0xbf: {  	[dreg:$0x1] =	wrdreg $0xFFFFFFFF  }
0xc0: {  	_ =	task.clear_ibuf [dreg:s6], $0x2FFFF;
	_ =	strace $0x9FFFFFFF  }
0xc1: {  	(tm) =	ssettm $0x7FFFFFFF  }
tec
execute0_lowered:
.L_overlay_start_1:
0x0: {  	(tag) =	ssettag $0x1  }
0x1: {  	s8 =	rddreg [dreg:$0x0]  }
0x2: {  	s0 =	rddreg [dreg:$0x1];
	_ =	strace $0x80000047;
	s1 =	stileid.u32  }
0x3: {  	s3 =	srdreg.scid;
	s4 =	simm.s32 $0x1;
	s7 =	simm.s32 $0x1  }
0x4: {  	s9 =	simm.s32 $0x1;
	s10 =	simm.s32 $0x3;
	s13 =	simm.s32 $0x0  }
0x5: {  	s12 =	simm.s32 $0x0;
	s5 =	sand.u32 $0x1, s3;
	s6 =	sshll.u32 s1, $0x1  }
0x6: {  	s2 =	sadd.s32 $0x21400, s8;
	s3 =	sadd.s32 $0x17600, s8;
	s5 =	sor.u32 s6, s5  }
.Ltmp0:
0x7: {  	[sflag:s4] =	ssyncpa.u1 $0x0;
	p0 =	slt.u32 s5, $0x9;
	(pc) =	sbr.rel .LBB2_1-.Ltmp0, $4  }
0x8: {  	s6 =	simm.s32 $0x2;
	s7 =	simm.s32 @!p0 $0x0;
	p0 =	sne.s32 s5, $0x8  }
0x9: {  	[sflag:s6] =	ssyncpa.u1 $0x0;
	s5 =	smul.u32 $0x1F40, s5;
	s9 =	simm.s32 @!p0 $0x0  }
0xa: {  	s8 =	sadd.s32 $0x2B200, s8;
	[sflag:s10] =	ssyncpa.u1 $0x0;
	s7 =	sadd.s32 s9, s7  }
0xb: {  	vm0 =	vmmov $0xffff;
	s10 =	simm.s32 $0x0;
	s11 =	smov.u32 s5;
	s9 =	sadd.s32 $0x1, s7  }
.LBB2_4:
0xc: {  	v2 =	vnsel vm1, $0x0, v2  }
0xd: {  	vm1 =	vgt.s32 v0, $0x0;
	v2 =	vmin.u32 v2, $0x4E1FF  }
0xe: {  	v0 =	vnsel vm1, $0x0, v0  }
0xf: {  	v0 =	vmin.u32 v0, $0x4E1FF  }
0x10: {  	[tilespmem:s18], [sflag:$0x1] =	stream.indirect_vreg.gather [hbm4b:s2+s10], $0x1, v1, vm0, $0x4038;
	[tilespmem:$0x7D00] =	vst v63  }
0x11: {  	(ifvalue) =	ssetifvalue $0x7FFFFFFF  }
0x12: {  	[tilespmem:s15], [sflag:$0x1] =	stream.indirect_vreg.gather [hbm4b:s2+s10], $0x1, v2, vm0, $0x4038;
	[tilespmem:$0x7D00] =	vst v63  }
0x13: {  	s29 =	sadd.s32 $0x10, s15;
	(ifvalue) =	ssetifvalue $0x7FFFFFFF  }
0x14: {  	[tilespmem:s29], [sflag:$0x1] =	stream.indirect_vreg.gather [hbm4b:s2+s10], $0x1, v0, vm0, $0x4038;
	[tilespmem:$0x7D00] =	vst v63  }
0x15: {  	_ =	swait.ge [sflag:s4], $0x1F40  }
0x16: {  	s30 =	sshrl.u32 s13, $0x3;
	[sflag:s4] =	ssyncset.done $0x0  }
0x17: {  	s31 =	sand.u32 $0x7, s13;
	s15 =	sadd.s32 s8, s30;
	[sflag:s4] =	ssyncadd.s32 $0xFFFFE0C0  }
0x18: {  	[hbm4b:s15+s31] =	stream.linear.scatter [tilespmem:s14], [sflag:$0x3], $0x1F40, $0x38;
	[tilespmem:$0x7D00] =	vst v63  }
.LBB2_5:
0x19: {  	s15 =	sadd.s32 $0x3E800, s11  }
0x1a: {  	p1 =	sgt.s32 s15, $0x4E1FF  }
0x1b: {  	s15 =	smov.u32 @p1 s5;
	p1 =	sne.s32 s12, s9  }
.Ltmp1:
0x1c: {  	p0 =	slt.u32 s12, $0x2;
	(pc) =	sbr.rel @!p1 .LBB2_6-.Ltmp1, $4  }
0x1d: {  	s14 =	simm.s32 @!p0 $0x3  }
0x1e: {  	_ =	swait.ge @!p0 [sflag:s14], $0x1F40  }
0x1f: {  	s16 =	sadd.s32 $0x1, s12;
	s13 =	smov.u32 s11;
	[sflag:s14] =	ssyncset.done @!p0 $0x0  }
0x20: {  	s12 =	smov.u32 s16;
	s11 =	smov.u32 s15;
	[sflag:s14] =	ssyncadd.s32 @!p0 $0xFFFFE0C0  }
.LBB2_1:
0x21: {  	p0 =	sge.u32 s12, s7  }
0x22: {  	s14 =	sxor.u32 @!p0 $0x1, s12  }
0x23: {  	s14 =	smul.u32 @!p0 $0x7D00, s14  }
0x24: {  	s31 =	sadd.s32 $0xFFFFFFFF, s12;
	s15 =	sshrl.u32 @!p0 s11, $0x3  }
0x25: {  	s16 =	sand.u32 @!p0 $0x7, s11;
	s15 =	sadd.s32 @!p0 s3, s15;
	s14 =	sshra.s32 @!p0 s14, $0x2  }
0x26: {  	[tilespmem:s14], [sflag:$0x2] =	stream.linear.gather @!p0 [hbm4b:s15+s16], $0x1F40, $0x38;
	[tilespmem:$0x7D00] =	vst v63  }
0x27: {  	p0 =	sge.u32 s31, s7  }
.Ltmp2:
0x28: {  	_ = 	snop;
	(pc) =	sbr.rel @p0 .LBB2_5-.Ltmp2, $1  }
0x29: {  	_ =	sdelay $0x3  }
0x2a: {  	s14 =	sand.u32 $0x1, s12  }
0x2b: {  	_ =	swait.ge [sflag:s6], $0x1F40;
	p0 =	seq.s32 s14, $0x1;
	s14 =	simm.s32 $0x1F40  }
0x2c: {  	[sflag:s6] =	ssyncset.done $0x0;
	s14 =	simm.s32 @!p0 $0x0  }
0x2d: {  	[sflag:s6] =	ssyncadd.s32 $0xFFFFE0C0;
	(ifvalue) =	ssetifvalue $0x7FFFFFFF;
	v0 =	vld.msk [tilespmem:s14+$0x0 ss:$0x1], $0xffff;
	_ =	sdelay $0x4  }
0x2e: {  	s15 =	sadd.s32 $0x10, s14;
	vm1 =	vgt.s32 v0, $0x0  }
0x2f: {  	v2 =	vld.msk [tilespmem:s15+$0x0 ss:$0x1], $0xffff;
	v1 =	vnsel vm1, $0x0, v0  }
0x30: {  	v1 =	vmin.u32 v1, $0x4E1FF;
	_ =	sdelay $0x2  }
0x31: {  	s17 =	simm.s32 $0x20;
	s14 =	sadd.s32 $0x3E80, s14;
	s16 =	sadd.s32 $0x10, s15  }
0x32: {  	s15 =	sadd.s32 $0x10, s14;
	s18 =	smov.u32 s14;
	v0 =	vld.msk [tilespmem:s16+$0x0 ss:$0x1], $0xffff;
	vm1 =	vgt.s32 v2, $0x0;
	(ifvalue) =	ssetifvalue $0x7FFFFFFF  }
.LBB2_3:
0x33: {  	[tilespmem:s18], [sflag:$0x1] =	stream.indirect_vreg.gather [hbm4b:s2+s10], $0x1, v1, vm0, $0x4038;
	[tilespmem:$0x7D00] =	vst v63  }
0x34: {  	s17 =	sadd.s32 $0x10, s17  }
0x35: {  	v2 =	vnsel vm1, $0x0, v2;
	p0 =	slt.u32 s17, $0x1F30  }
.Ltmp3:
0x36: {  	s18 =	smov.u32 s15;
	v1 =	vmin.u32 v2, $0x4E1FF;
	(pc) =	sbr.rel @p0 .LBB2_3-.Ltmp3, $3  }
0x37: {  	_ =	sdelay $0x1  }
0x38: {  	s16 =	sadd.s32 $0x10, s16  }
0x39: {  	vm1 =	vgt.s32 v0, $0x0;
	s15 =	sadd.s32 $0x10, s15;
	v2 =	vmov v0;
	(ifvalue) =	ssetifvalue $0x7FFFFFFF;
	v0 =	vld.msk [tilespmem:s16+$0x0 ss:$0x1], $0xffff  }
.Ltmp4:
0x3a: {  	_ = 	snop;
	(pc) =	sbr.rel .LBB2_4-.Ltmp4, $1  }
0x3b: {  	_ =	sdelay $0x3  }
.LBB2_6:
0x3c: {  	_ =	sfence.sel $0x180000  }
0x3d: {  	s2 =	simm.s32 $0x2;
	[bflag:$0x0] =	sbarrier.arrive $0xFFFF  }
0x3e: {  	s30 =	simm.s32 $0x3;
	[sflag:s2] =	ssyncpa.u1 $0x1  }
0x3f: {  	s31 =	simm.s32 $0x1;
	[sflag:s30] =	ssyncpa.u1 $0x1  }
0x40: {  	[sflag:s31] =	ssyncpa.u1 $0x1  }
0x41: {  	p0 =	sne.s32 s1, $0x0;
	_ =	strace $0x90000047  }
0x42: {  	s0 =	sadd.s32 @!p0 $0x100000, s0;
	[bflag:$0x2] =	sbarrier.arrive $0xFFFF  }
0x43: {  	[sflag:s0] =	ssyncadd.tile.s32 @!p0 $0x1;
	_ =	shalt  }
.Lfunc_end2:
_tile_overlayer_lowered:
.L_overlay_start_2:
0x44: {  	(tag) =	ssettag $0x2  }
0x45: {  	s0 =	rddreg [dreg:$0x0];
	s2 =	stileid.u32  }
0x46: {  	s1 =	rddreg [dreg:$0x1];
	p0 =	sne.s32 s2, $0x0  }
0x47: {  	s3 =	rddreg [dreg:$0x2];
	[bflag:$0x3] =	sbarrier.arrive $0xFFFF;
	s2 =	simm.s32 @!p0 $0x1C01  }
0x48: {  	[timem:s3], [sflag:s2] =	dma.local @!p0 [hbm:s0], s1  }
0x49: {  	s0 =	simm.s32 @!p0 $0x1  }
0x4a: {  	_ =	swait.ge @!p0 [sflag:s0], s1  }
0x4b: {  	s1 =	ssub.s32 @!p0 $0x0, s1;
	[sflag:s0] =	ssyncset.done @!p0 $0x0  }
0x4c: {  	[sflag:s0] =	ssyncadd.s32 @!p0 s1  }
0x4d: {  	[bflag:$0x3] =	sbarrier.arrive $0xFFFF  }
0x4e: {  	_ =	shalt  }

// kernel: gather_offload_async_start
scs
__scs_entry_jumppad:
0x0: {  	(pc) =	sbr.rel $0x88, $3  }
0x1: {  	(tag) =	ssettag $0x0;
	lr =	simm.s32 $0x1  }
0x2: {  	[smem:$0x3F9B] =	sst lr;
	_ =	strace $0xD0000000  }
0x3: {  	_ = 	snop  }
0x4: {  	_ = 	snop  }
0x5: {  	_ = 	snop  }
0x6: {  	_ = 	snop  }
0x7: {  	_ = 	snop  }
__scs_overlays_trampoline_lowered:
0x8: {  	[smem:$0x3FAA] =	sst s0  }
0x9: {  	[smem:$0x3FAB] =	sst s1  }
0xa: {  	[smem:$0x3FAC] =	sst s2  }
0xb: {  	[smem:$0x3FAD] =	sst s3  }
0xc: {  	[smem:$0x3FAE] =	sst s4  }
0xd: {  	[smem:$0x3FAF] =	sst s5  }
0xe: {  	[smem:$0x3FB0] =	sst s6  }
0xf: {  	[smem:$0x3FB1] =	sst s7  }
0x10: {  	[smem:$0x3FB2] =	sst s8  }
0x11: {  	[smem:$0x3FB3] =	sst s9;
	s0 =	simm.s32 @!p0 $0x0  }
0x12: {  	s1 =	sld [smem:$0x3F99];
	s0 =	simm.s32 @p0 $0x1  }
0x13: {  	[smem:$0x3FB4] =	sst s0;
	s0 =	simm.s32 @!p1 $0x0  }
0x14: {  	s2 =	sld [smem:$0x3F98];
	s0 =	simm.s32 @p1 $0x1  }
0x15: {  	[smem:$0x3FB5] =	sst s0;
	s0 =	simm.s32 @!p2 $0x0  }
0x16: {  	s3 =	sld [smem:$0x3FDB];
	s0 =	simm.s32 @p2 $0x1  }
0x17: {  	s4 =	simm.s32 $0x1BF5;
	[smem:$0x3FB7] =	sst s0  }
0x18: {  	s0 =	sld [smem:$0x3F9A];
	_ =	swait.ge [sflag:s4], $0x0  }
0x19: {  	s7 =	sld [smem:$0x3F9B]  }
0x1a: {  	s8 =	sadd.s32 $0xFFFFE003, lr  }
0x1b: {  	s9 =	sadd.s32 $0xFFFFFEF7, lr;
	s5 =	simm.s32 $0xFFFFFFFF;
	p2 =	slt.u32 s8, $0xFFFFF086  }
0x1c: {  	p1 =	slt.u32 s9, $0xF7A;
	s5 =	simm.s32 @!p2 $0x0  }
0x1d: {  	s5 =	simm.s32 @p1 $0x1;
	p0 =	seq.s32 s7, s2  }
0x1e: {  	s7 =	smul.u32 @!p0 $0xF7A, s2;
	p2 =	seq.s32 @!p0 s5, $0x0  }
0x1f: {  	s9 =	smul.u32 $0xF7A, s1;
	s8 =	simm.s32 @!p0 $0x1BF5;
	p2 =	por !p2, p0  }
0x20: {  	[sflag:s8] =	ssyncset.s32 @!p0 $0xFFFFF086;
	s6 =	sadd.s32 @!p0 s3, s7;
	s7 =	simm.s32 @!p0 $0x108  }
0x21: {  	s3 =	sadd.s32 s3, s9;
	s6 =	sadd.s32 @!p0 $0x88, s6;
	s7 =	simm.s32 @p2 $0x1082  }
0x22: {  	[simem:s7], [sflag:s8] =	dma.local @!p0 [hbm:s6], $0xF7A  }
0x23: {  	s9 =	sor.u32 $0xD0000000, s2;
	s6 =	simm.s32 $0x108;
	_ =	swait.ge @!p0 [sflag:s8], $0x0  }
0x24: {  	s3 =	sadd.s32 $0x88, s3;
	s6 =	simm.s32 @!p1 $0x1082;
	[sflag:s4] =	ssyncset.s32 $0xFFFFF086  }
0x25: {  	[simem:s6], [sflag:s4] =	dma.local [hbm:s3], $0xF7A  }
0x26: {  	[smem:$0x3F9B] =	sst s1;
	(tag) =	ssettag s2;
	_ =	strace s9  }
0x27: {  	s1 =	sld [smem:$0x3FAB]  }
0x28: {  	s2 =	sld [smem:$0x3FAC]  }
0x29: {  	s4 =	sld [smem:$0x3FAE]  }
0x2a: {  	p0 =	seq.s32 s5, $0x0;
	s5 =	sld [smem:$0x3FAF]  }
0x2b: {  	s6 =	sld [smem:$0x3FB0]  }
0x2c: {  	s7 =	sld [smem:$0x3FB1]  }
0x2d: {  	s3 =	simm.s32 $0x108;
	s8 =	sld [smem:$0x3FB2]  }
0x2e: {  	s3 =	simm.s32 @!p0 $0x1082;
	s9 =	sld [smem:$0x3FB3]  }
0x2f: {  	lr =	sadd.s32 s0, s3;
	s0 =	sld [smem:$0x3FAA]  }
0x30: {  	s3 =	sld [smem:$0x3FAD]  }
0x31: {  	[smem:$0x3FB6] =	sst s10  }
0x32: {  	s10 =	sld [smem:$0x3FB4];
	_ =	sdelay $0x3  }
0x33: {  	p0 =	seq.s32 s10, $0x1;
	s10 =	sld [smem:$0x3FB6];
	_ =	sdelay $0x3  }
0x34: {  	[smem:$0x3FB6] =	sst s10  }
0x35: {  	s10 =	sld [smem:$0x3FB5];
	_ =	sdelay $0x3  }
0x36: {  	p1 =	seq.s32 s10, $0x1;
	s10 =	sld [smem:$0x3FB6];
	_ =	sdelay $0x3  }
0x37: {  	[smem:$0x3FB6] =	sst s10  }
0x38: {  	s10 =	sld [smem:$0x3FB7]  }
0x39: {  	_ = 	snop;
	(pc) =	sbr.ind lr, $3  }
0x3a: {  	_ = 	snop  }
0x3b: {  	_ = 	snop  }
0x3c: {  	p2 =	seq.s32 s10, $0x1;
	s10 =	sld [smem:$0x3FB6]  }
0x3d: {  	_ =	shalt  }
0x3e: {  	_ =	shalt  }
0x3f: {  	_ =	shalt  }
0x40: {  	_ =	shalt  }
0x41: {  	_ =	shalt  }
0x42: {  	_ =	shalt  }
0x43: {  	_ =	shalt  }
0x44: {  	_ =	shalt  }
0x45: {  	_ =	shalt  }
0x46: {  	_ =	shalt  }
0x47: {  	_ =	shalt  }
0x48: {  	_ =	shalt  }
0x49: {  	_ =	shalt  }
0x4a: {  	_ =	shalt  }
0x4b: {  	_ =	shalt  }
0x4c: {  	_ =	shalt  }
0x4d: {  	_ =	shalt  }
0x4e: {  	_ =	shalt  }
0x4f: {  	_ =	shalt  }
0x50: {  	_ =	shalt  }
0x51: {  	_ =	shalt  }
0x52: {  	_ =	shalt  }
0x53: {  	_ =	shalt  }
0x54: {  	_ =	shalt  }
0x55: {  	_ =	shalt  }
0x56: {  	_ =	shalt  }
0x57: {  	_ =	shalt  }
0x58: {  	_ =	shalt  }
0x59: {  	_ =	shalt  }
0x5a: {  	_ =	shalt  }
0x5b: {  	_ =	shalt  }
0x5c: {  	_ =	shalt  }
0x5d: {  	_ =	shalt  }
0x5e: {  	_ =	shalt  }
0x5f: {  	_ =	shalt  }
0x60: {  	_ =	shalt  }
0x61: {  	_ =	shalt  }
0x62: {  	_ =	shalt  }
0x63: {  	_ =	shalt  }
0x64: {  	_ =	shalt  }
0x65: {  	_ =	shalt  }
0x66: {  	_ =	shalt  }
0x67: {  	_ =	shalt  }
0x68: {  	_ =	shalt  }
0x69: {  	_ =	shalt  }
0x6a: {  	_ =	shalt  }
0x6b: {  	_ =	shalt  }
0x6c: {  	_ =	shalt  }
0x6d: {  	_ =	shalt  }
0x6e: {  	_ =	shalt  }
0x6f: {  	_ =	shalt  }
0x70: {  	_ =	shalt  }
0x71: {  	_ =	shalt  }
0x72: {  	_ =	shalt  }
0x73: {  	_ =	shalt  }
0x74: {  	_ =	shalt  }
0x75: {  	_ =	shalt  }
0x76: {  	_ =	shalt  }
0x77: {  	_ =	shalt  }
0x78: {  	_ =	shalt  }
0x79: {  	_ =	shalt  }
0x7a: {  	_ =	shalt  }
0x7b: {  	_ =	shalt  }
0x7c: {  	_ =	shalt  }
0x7d: {  	_ =	shalt  }
0x7e: {  	_ =	shalt  }
0x7f: {  	_ =	shalt  }
0x80: {  	_ =	shalt  }
0x81: {  	_ =	shalt  }
0x82: {  	_ =	shalt  }
0x83: {  	_ =	shalt  }
0x84: {  	_ =	shalt  }
0x85: {  	_ =	shalt  }
0x86: {  	_ =	shalt  }
0x87: {  	_ =	shalt  }
.Lfunc_end0:
.L_simem_size_0:
called_computation_lowered:
.L_overlay_start_0:
0x88: {  	s2 =	sld [smem:$0x3FD9]  }
0x89: {  	s3 =	sld [smem:$0x3FFE];
	_ =	sdelay $0x1  }
0x8a: {  	s1 =	srdreg.scid  }
0x8b: {  	s0 =	sand.u32 $0x1, s1  }
0x8c: {  	s16 =	sshll.u32 s0, $0xA;
	s2 =	sadd.s32 s3, s2  }
0x8d: {  	s2 =	sadd.s32 s2, s16  }
0x8e: {  	[smem:$0x3FC2] =	sst s2  }
0x8f: {  	_ = 	snop  }
0x90: {  	(tm) =	ssettm $0x1  }
0x91: {  	s17 =	sld [smem:$0x3FFB];
	_ =	sdelay $0x3  }
0x92: {  	_ =	strace s17  }
0x93: {  	s2 =	sld [smem:$0x3FFC];
	_ =	sdelay $0x3  }
0x94: {  	_ =	strace s2  }
0x95: {  	s2 =	sld [smem:$0x3FFD];
	_ =	sdelay $0x3  }
0x96: {  	_ =	strace s2  }
0x97: {  	_ =	strace $0x8FFFFFFF  }
0x98: {  	s18 =	sld [smem:$0x3FDB];
	_ =	sdelay $0x1  }
0x99: {  	s19 =	simm.s32 $_scs_section_size  }
0x9a: {  	s4 =	simm.s32 $_size__tile_overlayer_lowered;
	s5 =	simm.s32 $_tile_overlayer_lowered  }
0x9b: {  	s22 =	simm.s32 $0x1BFF;
	s21 =	sshll.u32 s5, $0x1;
	s2 =	sadd.s32 s19, s18  }
0x9c: {  	s6 =	simm.s32 $0x0;
	s20 =	sshll.u32 s4, $0x1;
	s4 =	sadd.s32 s21, s2  }
0x9d: {  	[timem:s6], [sflag:s22] =	dma.local [hbm:s4], s20  }
0x9e: {  	_ =	swait.ge [sflag:s22], s20  }
0x9f: {  	s3 =	ssub.s32 $0x0, s20;
	[sflag:s22] =	ssyncset.done $0x0  }
0xa0: {  	[sflag:s22] =	ssyncadd.s32 s3;
	_ =	sdelay $0x1  }
0xa1: {  	s23 =	simm.s32 $0x1B8B  }
0xa2: {  	_ =	swait.ge [sflag:s23], $0x1  }
0xa3: {  	[sflag:s23] =	ssyncset.done $0x0  }
0xa4: {  	s25 =	simm.s32 $0x1B8E;
	s24 =	sld [smem:$0x3FFE];
	[sflag:s23] =	ssyncadd.s32 $0xFFFFFFFF  }
0xa5: {  	s26 =	simm.s32 $execute0_lowered;
	[smem:$0x3FD2] =	sst s25  }
0xa6: {  	s4 =	sshll.u32 s26, $0x1;
	_ =	strace $0x8000004F;
	[dreg:$0x1] =	wrdreg $0xFFFFFFFF  }
0xa7: {  	s28 =	simm.s32 $_size_execute0_lowered;
	s2 =	sadd.s32 s2, s4;
	[dreg:$0x0] =	wrdreg $0x0  }
0xa8: {  	s4 =	sshll.u32 s28, $0x1;
	[dreg:$0x2] =	wrdreg s2  }
0xa9: {  	[dreg:$0x3] =	wrdreg s4  }
0xaa: {  	[dreg:$0x4] =	wrdreg $0xC0  }
0xab: {  	_ =	task [dreg:s6], $0x5FFFF  }
0xac: {  	[dreg:$0x1] =	wrdreg $0xFFFFFFFF  }
0xad: {  	[dreg:$0x0] =	wrdreg $0x60  }
0xae: {  	[dreg:$0x2] =	wrdreg s24  }
0xaf: {  	[dreg:$0x3] =	wrdreg $0x9  }
0xb0: {  	_ =	task.clear_ibuf [dreg:s6], $0x4FFFF;
	_ =	strace $0x9000004F  }
0xb1: {  	s29 =	simm.s32 $0x9;
	_ =	strace $0x80000051  }
0xb2: {  	_ =	swait.ge [sflag:s29], $0x1  }
0xb3: {  	[sflag:s29] =	ssyncadd.s32 $0xFFFFFFFF  }
0xb4: {  	_ =	strace $0x90000051  }
0xb5: {  	_ =	sfence  }
0xb6: {  	s30 =	sld [smem:$0x0];
	_ =	sdelay $0x2  }
0xb7: {  	s31 =	sshll.u32 s1, $0xD;
	s1 =	sshrl.u32 s1, $0x2  }
0xb8: {  	s3 =	sand.u32 $0x4000, s31;
	s1 =	sadd.s32 s1, s30  }
0xb9: {  	s0 =	sor.u32 s3, s0;
	s1 =	sshll.u32 s1, $0x11  }
0xba: {  	s0 =	sor.u32 s1, s0  }
0xbb: {  	s0 =	sadd.s32 $0x8F2B, s0  }
0xbc: {  	[sflag:s0] =	ssyncadd.remote.s32 $0x1  }
0xbd: {  	_ =	sfence.sel $0xFFFF  }
0xbe: {  	[dreg:$0x0] =	wrdreg $0xFFFFFFFF;
	(pc) =	sbr.abs _section_cstart, $3  }
0xbf: {  	[dreg:$0x1] =	wrdreg $0xFFFFFFFF  }
0xc0: {  	_ =	task.clear_ibuf [dreg:s6], $0x2FFFF;
	_ =	strace $0x9FFFFFFF  }
0xc1: {  	(tm) =	ssettm $0x7FFFFFFF  }
tec
execute0_lowered:
.L_overlay_start_1:
0x0: {  	(tag) =	ssettag $0x1  }
0x1: {  	s8 =	rddreg [dreg:$0x0]  }
0x2: {  	s0 =	rddreg [dreg:$0x1];
	_ =	strace $0x80000050;
	s1 =	stileid.u32  }
0x3: {  	s3 =	srdreg.scid;
	s4 =	simm.s32 $0x1;
	s7 =	simm.s32 $0x1  }
0x4: {  	s9 =	simm.s32 $0x1;
	s10 =	simm.s32 $0x3;
	s13 =	simm.s32 $0x0  }
0x5: {  	s12 =	simm.s32 $0x0;
	s5 =	sand.u32 $0x1, s3;
	s6 =	sshll.u32 s1, $0x1  }
0x6: {  	s2 =	sadd.s32 $0x21400, s8;
	s3 =	sadd.s32 $0x35000, s8;
	s5 =	sor.u32 s6, s5  }
.Ltmp0:
0x7: {  	[sflag:s4] =	ssyncpa.u1 $0x0;
	p0 =	slt.u32 s5, $0x9;
	(pc) =	sbr.rel .LBB2_1-.Ltmp0, $4  }
0x8: {  	s6 =	simm.s32 $0x2;
	s7 =	simm.s32 @!p0 $0x0;
	p0 =	sne.s32 s5, $0x8  }
0x9: {  	[sflag:s6] =	ssyncpa.u1 $0x0;
	s5 =	smul.u32 $0x1F40, s5;
	s9 =	simm.s32 @!p0 $0x0  }
0xa: {  	s8 =	sadd.s32 $0x3EE00, s8;
	[sflag:s10] =	ssyncpa.u1 $0x0;
	s7 =	sadd.s32 s9, s7  }
0xb: {  	vm0 =	vmmov $0xffff;
	s10 =	simm.s32 $0x0;
	s11 =	smov.u32 s5;
	s9 =	sadd.s32 $0x1, s7  }
.LBB2_4:
0xc: {  	v2 =	vnsel vm1, $0x0, v2  }
0xd: {  	vm1 =	vgt.s32 v0, $0x0;
	v2 =	vmin.u32 v2, $0x4E1FF  }
0xe: {  	v0 =	vnsel vm1, $0x0, v0  }
0xf: {  	v0 =	vmin.u32 v0, $0x4E1FF  }
0x10: {  	[tilespmem:s18], [sflag:$0x1] =	stream.indirect_vreg.gather [hbm4b:s2+s10], $0x1, v1, vm0, $0x4038;
	[tilespmem:$0x7D00] =	vst v63  }
0x11: {  	(ifvalue) =	ssetifvalue $0x7FFFFFFF  }
0x12: {  	[tilespmem:s15], [sflag:$0x1] =	stream.indirect_vreg.gather [hbm4b:s2+s10], $0x1, v2, vm0, $0x4038;
	[tilespmem:$0x7D00] =	vst v63  }
0x13: {  	s29 =	sadd.s32 $0x10, s15;
	(ifvalue) =	ssetifvalue $0x7FFFFFFF  }
0x14: {  	[tilespmem:s29], [sflag:$0x1] =	stream.indirect_vreg.gather [hbm4b:s2+s10], $0x1, v0, vm0, $0x4038;
	[tilespmem:$0x7D00] =	vst v63  }
0x15: {  	_ =	swait.ge [sflag:s4], $0x1F40  }
0x16: {  	s30 =	sshrl.u32 s13, $0x3;
	[sflag:s4] =	ssyncset.done $0x0  }
0x17: {  	s31 =	sand.u32 $0x7, s13;
	s15 =	sadd.s32 s8, s30;
	[sflag:s4] =	ssyncadd.s32 $0xFFFFE0C0  }
0x18: {  	[hbm4b:s15+s31] =	stream.linear.scatter [tilespmem:s14], [sflag:$0x3], $0x1F40, $0x38;
	[tilespmem:$0x7D00] =	vst v63  }
.LBB2_5:
0x19: {  	s15 =	sadd.s32 $0x3E800, s11  }
0x1a: {  	p1 =	sgt.s32 s15, $0x4E1FF  }
0x1b: {  	s15 =	smov.u32 @p1 s5;
	p1 =	sne.s32 s12, s9  }
.Ltmp1:
0x1c: {  	p0 =	slt.u32 s12, $0x2;
	(pc) =	sbr.rel @!p1 .LBB2_6-.Ltmp1, $4  }
0x1d: {  	s14 =	simm.s32 @!p0 $0x3  }
0x1e: {  	_ =	swait.ge @!p0 [sflag:s14], $0x1F40  }
0x1f: {  	s16 =	sadd.s32 $0x1, s12;
	s13 =	smov.u32 s11;
	[sflag:s14] =	ssyncset.done @!p0 $0x0  }
0x20: {  	s12 =	smov.u32 s16;
	s11 =	smov.u32 s15;
	[sflag:s14] =	ssyncadd.s32 @!p0 $0xFFFFE0C0  }
.LBB2_1:
0x21: {  	p0 =	sge.u32 s12, s7  }
0x22: {  	s14 =	sxor.u32 @!p0 $0x1, s12  }
0x23: {  	s14 =	smul.u32 @!p0 $0x7D00, s14  }
0x24: {  	s31 =	sadd.s32 $0xFFFFFFFF, s12;
	s15 =	sshrl.u32 @!p0 s11, $0x3  }
0x25: {  	s16 =	sand.u32 @!p0 $0x7, s11;
	s15 =	sadd.s32 @!p0 s3, s15;
	s14 =	sshra.s32 @!p0 s14, $0x2  }
0x26: {  	[tilespmem:s14], [sflag:$0x2] =	stream.linear.gather @!p0 [hbm4b:s15+s16], $0x1F40, $0x38;
	[tilespmem:$0x7D00] =	vst v63  }
0x27: {  	p0 =	sge.u32 s31, s7  }
.Ltmp2:
0x28: {  	_ = 	snop;
	(pc) =	sbr.rel @p0 .LBB2_5-.Ltmp2, $1  }
0x29: {  	_ =	sdelay $0x3  }
0x2a: {  	s14 =	sand.u32 $0x1, s12  }
0x2b: {  	_ =	swait.ge [sflag:s6], $0x1F40;
	p0 =	seq.s32 s14, $0x1;
	s14 =	simm.s32 $0x1F40  }
0x2c: {  	[sflag:s6] =	ssyncset.done $0x0;
	s14 =	simm.s32 @!p0 $0x0  }
0x2d: {  	[sflag:s6] =	ssyncadd.s32 $0xFFFFE0C0;
	(ifvalue) =	ssetifvalue $0x7FFFFFFF;
	v0 =	vld.msk [tilespmem:s14+$0x0 ss:$0x1], $0xffff;
	_ =	sdelay $0x4  }
0x2e: {  	s15 =	sadd.s32 $0x10, s14;
	vm1 =	vgt.s32 v0, $0x0  }
0x2f: {  	v2 =	vld.msk [tilespmem:s15+$0x0 ss:$0x1], $0xffff;
	v1 =	vnsel vm1, $0x0, v0  }
0x30: {  	v1 =	vmin.u32 v1, $0x4E1FF;
	_ =	sdelay $0x2  }
0x31: {  	s17 =	simm.s32 $0x20;
	s14 =	sadd.s32 $0x3E80, s14;
	s16 =	sadd.s32 $0x10, s15  }
0x32: {  	s15 =	sadd.s32 $0x10, s14;
	s18 =	smov.u32 s14;
	v0 =	vld.msk [tilespmem:s16+$0x0 ss:$0x1], $0xffff;
	vm1 =	vgt.s32 v2, $0x0;
	(ifvalue) =	ssetifvalue $0x7FFFFFFF  }
.LBB2_3:
0x33: {  	[tilespmem:s18], [sflag:$0x1] =	stream.indirect_vreg.gather [hbm4b:s2+s10], $0x1, v1, vm0, $0x4038;
	[tilespmem:$0x7D00] =	vst v63  }
0x34: {  	s17 =	sadd.s32 $0x10, s17  }
0x35: {  	v2 =	vnsel vm1, $0x0, v2;
	p0 =	slt.u32 s17, $0x1F30  }
.Ltmp3:
0x36: {  	s18 =	smov.u32 s15;
	v1 =	vmin.u32 v2, $0x4E1FF;
	(pc) =	sbr.rel @p0 .LBB2_3-.Ltmp3, $3  }
0x37: {  	_ =	sdelay $0x1  }
0x38: {  	s16 =	sadd.s32 $0x10, s16  }
0x39: {  	vm1 =	vgt.s32 v0, $0x0;
	s15 =	sadd.s32 $0x10, s15;
	v2 =	vmov v0;
	(ifvalue) =	ssetifvalue $0x7FFFFFFF;
	v0 =	vld.msk [tilespmem:s16+$0x0 ss:$0x1], $0xffff  }
.Ltmp4:
0x3a: {  	_ = 	snop;
	(pc) =	sbr.rel .LBB2_4-.Ltmp4, $1  }
0x3b: {  	_ =	sdelay $0x3  }
.LBB2_6:
0x3c: {  	_ =	sfence.sel $0x180000  }
0x3d: {  	s2 =	simm.s32 $0x2;
	[bflag:$0x0] =	sbarrier.arrive $0xFFFF  }
0x3e: {  	s30 =	simm.s32 $0x3;
	[sflag:s2] =	ssyncpa.u1 $0x1  }
0x3f: {  	s31 =	simm.s32 $0x1;
	[sflag:s30] =	ssyncpa.u1 $0x1  }
0x40: {  	[sflag:s31] =	ssyncpa.u1 $0x1  }
0x41: {  	p0 =	sne.s32 s1, $0x0;
	_ =	strace $0x90000050  }
0x42: {  	s0 =	sadd.s32 @!p0 $0x100000, s0;
	[bflag:$0x2] =	sbarrier.arrive $0xFFFF  }
0x43: {  	[sflag:s0] =	ssyncadd.tile.s32 @!p0 $0x1;
	_ =	shalt  }
.Lfunc_end2:
_tile_overlayer_lowered:
.L_overlay_start_2:
0x44: {  	(tag) =	ssettag $0x2  }
0x45: {  	s0 =	rddreg [dreg:$0x0];
	s2 =	stileid.u32  }
0x46: {  	s1 =	rddreg [dreg:$0x1];
	p0 =	sne.s32 s2, $0x0  }
0x47: {  	s3 =	rddreg [dreg:$0x2];
	[bflag:$0x3] =	sbarrier.arrive $0xFFFF;
	s2 =	simm.s32 @!p0 $0x1C01  }
0x48: {  	[timem:s3], [sflag:s2] =	dma.local @!p0 [hbm:s0], s1  }
0x49: {  	s0 =	simm.s32 @!p0 $0x1  }
0x4a: {  	_ =	swait.ge @!p0 [sflag:s0], s1  }
0x4b: {  	s1 =	ssub.s32 @!p0 $0x0, s1;
	[sflag:s0] =	ssyncset.done @!p0 $0x0  }
0x4c: {  	[sflag:s0] =	ssyncadd.s32 @!p0 s1  }
0x4d: {  	[bflag:$0x3] =	sbarrier.arrive $0xFFFF  }
0x4e: {  	_ =	shalt  }

// kernel: kernel.6.cloned.1.call-start
scs
__scs_entry_jumppad:
0x0: {  	(pc) =	sbr.rel $0x88, $3  }
0x1: {  	(tag) =	ssettag $0x0;
	lr =	simm.s32 $0x1  }
0x2: {  	[smem:$0x3F9B] =	sst lr;
	_ =	strace $0xD0000000  }
0x3: {  	_ = 	snop  }
0x4: {  	_ = 	snop  }
0x5: {  	_ = 	snop  }
0x6: {  	_ = 	snop  }
0x7: {  	_ = 	snop  }
__scs_overlays_trampoline_lowered:
0x8: {  	[smem:$0x3FAA] =	sst s0  }
0x9: {  	[smem:$0x3FAB] =	sst s1  }
0xa: {  	[smem:$0x3FAC] =	sst s2  }
0xb: {  	[smem:$0x3FAD] =	sst s3  }
0xc: {  	[smem:$0x3FAE] =	sst s4  }
0xd: {  	[smem:$0x3FAF] =	sst s5  }
0xe: {  	[smem:$0x3FB0] =	sst s6  }
0xf: {  	[smem:$0x3FB1] =	sst s7  }
0x10: {  	[smem:$0x3FB2] =	sst s8  }
0x11: {  	[smem:$0x3FB3] =	sst s9;
	s0 =	simm.s32 @!p0 $0x0  }
0x12: {  	s1 =	sld [smem:$0x3F99];
	s0 =	simm.s32 @p0 $0x1  }
0x13: {  	[smem:$0x3FB4] =	sst s0;
	s0 =	simm.s32 @!p1 $0x0  }
0x14: {  	s2 =	sld [smem:$0x3F98];
	s0 =	simm.s32 @p1 $0x1  }
0x15: {  	[smem:$0x3FB5] =	sst s0;
	s0 =	simm.s32 @!p2 $0x0  }
0x16: {  	s3 =	sld [smem:$0x3FDB];
	s0 =	simm.s32 @p2 $0x1  }
0x17: {  	s4 =	simm.s32 $0x1BF5;
	[smem:$0x3FB7] =	sst s0  }
0x18: {  	s0 =	sld [smem:$0x3F9A];
	_ =	swait.ge [sflag:s4], $0x0  }
0x19: {  	s7 =	sld [smem:$0x3F9B]  }
0x1a: {  	s8 =	sadd.s32 $0xFFFFE003, lr  }
0x1b: {  	s9 =	sadd.s32 $0xFFFFFEF7, lr;
	s5 =	simm.s32 $0xFFFFFFFF;
	p2 =	slt.u32 s8, $0xFFFFF086  }
0x1c: {  	p1 =	slt.u32 s9, $0xF7A;
	s5 =	simm.s32 @!p2 $0x0  }
0x1d: {  	s5 =	simm.s32 @p1 $0x1;
	p0 =	seq.s32 s7, s2  }
0x1e: {  	s7 =	smul.u32 @!p0 $0xF7A, s2;
	p2 =	seq.s32 @!p0 s5, $0x0  }
0x1f: {  	s9 =	smul.u32 $0xF7A, s1;
	s8 =	simm.s32 @!p0 $0x1BF5;
	p2 =	por !p2, p0  }
0x20: {  	[sflag:s8] =	ssyncset.s32 @!p0 $0xFFFFF086;
	s6 =	sadd.s32 @!p0 s3, s7;
	s7 =	simm.s32 @!p0 $0x108  }
0x21: {  	s3 =	sadd.s32 s3, s9;
	s6 =	sadd.s32 @!p0 $0x88, s6;
	s7 =	simm.s32 @p2 $0x1082  }
0x22: {  	[simem:s7], [sflag:s8] =	dma.local @!p0 [hbm:s6], $0xF7A  }
0x23: {  	s9 =	sor.u32 $0xD0000000, s2;
	s6 =	simm.s32 $0x108;
	_ =	swait.ge @!p0 [sflag:s8], $0x0  }
0x24: {  	s3 =	sadd.s32 $0x88, s3;
	s6 =	simm.s32 @!p1 $0x1082;
	[sflag:s4] =	ssyncset.s32 $0xFFFFF086  }
0x25: {  	[simem:s6], [sflag:s4] =	dma.local [hbm:s3], $0xF7A  }
0x26: {  	[smem:$0x3F9B] =	sst s1;
	(tag) =	ssettag s2;
	_ =	strace s9  }
0x27: {  	s1 =	sld [smem:$0x3FAB]  }
0x28: {  	s2 =	sld [smem:$0x3FAC]  }
0x29: {  	s4 =	sld [smem:$0x3FAE]  }
0x2a: {  	p0 =	seq.s32 s5, $0x0;
	s5 =	sld [smem:$0x3FAF]  }
0x2b: {  	s6 =	sld [smem:$0x3FB0]  }
0x2c: {  	s7 =	sld [smem:$0x3FB1]  }
0x2d: {  	s3 =	simm.s32 $0x108;
	s8 =	sld [smem:$0x3FB2]  }
0x2e: {  	s3 =	simm.s32 @!p0 $0x1082;
	s9 =	sld [smem:$0x3FB3]  }
0x2f: {  	lr =	sadd.s32 s0, s3;
	s0 =	sld [smem:$0x3FAA]  }
0x30: {  	s3 =	sld [smem:$0x3FAD]  }
0x31: {  	[smem:$0x3FB6] =	sst s10  }
0x32: {  	s10 =	sld [smem:$0x3FB4];
	_ =	sdelay $0x3  }
0x33: {  	p0 =	seq.s32 s10, $0x1;
	s10 =	sld [smem:$0x3FB6];
	_ =	sdelay $0x3  }
0x34: {  	[smem:$0x3FB6] =	sst s10  }
0x35: {  	s10 =	sld [smem:$0x3FB5];
	_ =	sdelay $0x3  }
0x36: {  	p1 =	seq.s32 s10, $0x1;
	s10 =	sld [smem:$0x3FB6];
	_ =	sdelay $0x3  }
0x37: {  	[smem:$0x3FB6] =	sst s10  }
0x38: {  	s10 =	sld [smem:$0x3FB7]  }
0x39: {  	_ = 	snop;
	(pc) =	sbr.ind lr, $3  }
0x3a: {  	_ = 	snop  }
0x3b: {  	_ = 	snop  }
0x3c: {  	p2 =	seq.s32 s10, $0x1;
	s10 =	sld [smem:$0x3FB6]  }
0x3d: {  	_ =	shalt  }
0x3e: {  	_ =	shalt  }
0x3f: {  	_ =	shalt  }
0x40: {  	_ =	shalt  }
0x41: {  	_ =	shalt  }
0x42: {  	_ =	shalt  }
0x43: {  	_ =	shalt  }
0x44: {  	_ =	shalt  }
0x45: {  	_ =	shalt  }
0x46: {  	_ =	shalt  }
0x47: {  	_ =	shalt  }
0x48: {  	_ =	shalt  }
0x49: {  	_ =	shalt  }
0x4a: {  	_ =	shalt  }
0x4b: {  	_ =	shalt  }
0x4c: {  	_ =	shalt  }
0x4d: {  	_ =	shalt  }
0x4e: {  	_ =	shalt  }
0x4f: {  	_ =	shalt  }
0x50: {  	_ =	shalt  }
0x51: {  	_ =	shalt  }
0x52: {  	_ =	shalt  }
0x53: {  	_ =	shalt  }
0x54: {  	_ =	shalt  }
0x55: {  	_ =	shalt  }
0x56: {  	_ =	shalt  }
0x57: {  	_ =	shalt  }
0x58: {  	_ =	shalt  }
0x59: {  	_ =	shalt  }
0x5a: {  	_ =	shalt  }
0x5b: {  	_ =	shalt  }
0x5c: {  	_ =	shalt  }
0x5d: {  	_ =	shalt  }
0x5e: {  	_ =	shalt  }
0x5f: {  	_ =	shalt  }
0x60: {  	_ =	shalt  }
0x61: {  	_ =	shalt  }
0x62: {  	_ =	shalt  }
0x63: {  	_ =	shalt  }
0x64: {  	_ =	shalt  }
0x65: {  	_ =	shalt  }
0x66: {  	_ =	shalt  }
0x67: {  	_ =	shalt  }
0x68: {  	_ =	shalt  }
0x69: {  	_ =	shalt  }
0x6a: {  	_ =	shalt  }
0x6b: {  	_ =	shalt  }
0x6c: {  	_ =	shalt  }
0x6d: {  	_ =	shalt  }
0x6e: {  	_ =	shalt  }
0x6f: {  	_ =	shalt  }
0x70: {  	_ =	shalt  }
0x71: {  	_ =	shalt  }
0x72: {  	_ =	shalt  }
0x73: {  	_ =	shalt  }
0x74: {  	_ =	shalt  }
0x75: {  	_ =	shalt  }
0x76: {  	_ =	shalt  }
0x77: {  	_ =	shalt  }
0x78: {  	_ =	shalt  }
0x79: {  	_ =	shalt  }
0x7a: {  	_ =	shalt  }
0x7b: {  	_ =	shalt  }
0x7c: {  	_ =	shalt  }
0x7d: {  	_ =	shalt  }
0x7e: {  	_ =	shalt  }
0x7f: {  	_ =	shalt  }
0x80: {  	_ =	shalt  }
0x81: {  	_ =	shalt  }
0x82: {  	_ =	shalt  }
0x83: {  	_ =	shalt  }
0x84: {  	_ =	shalt  }
0x85: {  	_ =	shalt  }
0x86: {  	_ =	shalt  }
0x87: {  	_ =	shalt  }
.Lfunc_end0:
.L_simem_size_0:
called_computation.2_lowered:
.L_overlay_start_0:
0x88: {  	s2 =	sld [smem:$0x3FD9]  }
0x89: {  	s3 =	sld [smem:$0x3FFE];
	_ =	sdelay $0x1  }
0x8a: {  	s1 =	srdreg.scid  }
0x8b: {  	s0 =	sand.u32 $0x1, s1  }
0x8c: {  	s17 =	sshll.u32 s0, $0xA;
	s2 =	sadd.s32 s3, s2  }
0x8d: {  	s2 =	sadd.s32 s2, s17  }
0x8e: {  	[smem:$0x3FC2] =	sst s2  }
0x8f: {  	_ = 	snop  }
0x90: {  	s2 =	sld [smem:$0x3FD0];
	(tm) =	ssettm $0x1  }
0x91: {  	s18 =	sld [smem:$0x3FFB];
	_ =	sdelay $0x3  }
0x92: {  	_ =	strace s18  }
0x93: {  	s3 =	sld [smem:$0x3FFC];
	_ =	sdelay $0x3  }
0x94: {  	_ =	strace s3  }
0x95: {  	s3 =	sld [smem:$0x3FFD];
	_ =	sdelay $0x3  }
0x96: {  	_ =	strace s3  }
0x97: {  	_ =	strace $0x8FFFFFFF  }
0x98: {  	s19 =	sld [smem:$0x3FDB];
	_ =	sdelay $0x1  }
0x99: {  	s4 =	simm.s32 $_scs_section_size  }
0x9a: {  	s5 =	simm.s32 $_size__tile_overlayer_lowered;
	s6 =	simm.s32 $_tile_overlayer_lowered  }
0x9b: {  	s22 =	simm.s32 $0x1BFF;
	s21 =	sshll.u32 s6, $0x1;
	s3 =	sadd.s32 s4, s19  }
0x9c: {  	s7 =	simm.s32 $0x0;
	s20 =	sshll.u32 s5, $0x1;
	s5 =	sadd.s32 s21, s3  }
0x9d: {  	[timem:s7], [sflag:s22] =	dma.local [hbm:s5], s20  }
0x9e: {  	_ =	swait.ge [sflag:s22], s20  }
0x9f: {  	s4 =	ssub.s32 $0x0, s20;
	[sflag:s22] =	ssyncset.done $0x0  }
0xa0: {  	[sflag:s22] =	ssyncadd.s32 s4;
	_ =	sdelay $0x1  }
0xa1: {  	s23 =	simm.s32 $0x1B8B  }
0xa2: {  	_ =	swait.ge [sflag:s23], $0x1  }
0xa3: {  	[sflag:s23] =	ssyncset.done $0x0  }
0xa4: {  	s25 =	simm.s32 $0x1B8E;
	s24 =	sld [smem:$0x3FFE];
	[sflag:s23] =	ssyncadd.s32 $0xFFFFFFFF  }
0xa5: {  	s26 =	simm.s32 $execute0_lowered;
	[smem:$0x3FD2] =	sst s25  }
0xa6: {  	s5 =	sshll.u32 s26, $0x1;
	_ =	strace $0x80000049;
	[dreg:$0x1] =	wrdreg $0xFFFFFFFF  }
0xa7: {  	s28 =	simm.s32 $_size_execute0_lowered;
	s3 =	sadd.s32 s3, s5;
	[dreg:$0x0] =	wrdreg $0x0  }
0xa8: {  	s5 =	sshll.u32 s28, $0x1;
	[dreg:$0x2] =	wrdreg s3  }
0xa9: {  	[dreg:$0x3] =	wrdreg s5  }
0xaa: {  	[dreg:$0x4] =	wrdreg $0xC0  }
0xab: {  	_ =	task [dreg:s7], $0x5FFFF  }
0xac: {  	[dreg:$0x1] =	wrdreg $0xFFFFFFFF  }
0xad: {  	[dreg:$0x0] =	wrdreg $0x60  }
0xae: {  	[dreg:$0x2] =	wrdreg s24  }
0xaf: {  	[dreg:$0x3] =	wrdreg s2  }
0xb0: {  	[dreg:$0x4] =	wrdreg $0x52000  }
0xb1: {  	[dreg:$0x5] =	wrdreg $0x9  }
0xb2: {  	_ =	task.clear_ibuf [dreg:s7], $0x6FFFF;
	_ =	strace $0x90000049  }
0xb3: {  	s29 =	simm.s32 $0x9;
	_ =	strace $0x8000004B  }
0xb4: {  	_ =	swait.ge [sflag:s29], $0x1  }
0xb5: {  	[sflag:s29] =	ssyncadd.s32 $0xFFFFFFFF  }
0xb6: {  	_ =	strace $0x9000004B  }
0xb7: {  	_ =	sfence  }
0xb8: {  	s30 =	sld [smem:$0x0];
	_ =	sdelay $0x2  }
0xb9: {  	s31 =	sshll.u32 s1, $0xD;
	s1 =	sshrl.u32 s1, $0x2  }
0xba: {  	s3 =	sand.u32 $0x4000, s31;
	s1 =	sadd.s32 s1, s30  }
0xbb: {  	s0 =	sor.u32 s3, s0;
	s1 =	sshll.u32 s1, $0x11  }
0xbc: {  	s0 =	sor.u32 s1, s0  }
0xbd: {  	s0 =	sadd.s32 $0x8F2B, s0  }
0xbe: {  	[sflag:s0] =	ssyncadd.remote.s32 $0x1  }
0xbf: {  	_ =	sfence.sel $0xFFFF  }
0xc0: {  	[dreg:$0x0] =	wrdreg $0xFFFFFFFF;
	(pc) =	sbr.abs _section_cstart, $3  }
0xc1: {  	[dreg:$0x1] =	wrdreg $0xFFFFFFFF  }
0xc2: {  	_ =	task.clear_ibuf [dreg:s7], $0x2FFFF;
	_ =	strace $0x9FFFFFFF  }
0xc3: {  	(tm) =	ssettm $0x7FFFFFFF  }
tec
execute0_lowered:
.L_overlay_start_1:
0x0: {  	(tag) =	ssettag $0x1  }
0x1: {  	s6 =	rddreg [dreg:$0x0]  }
0x2: {  	s11 =	rddreg [dreg:$0x1]  }
0x3: {  	s0 =	srdreg.scid;
	s2 =	rddreg [dreg:$0x2]  }
0x4: {  	s1 =	rddreg [dreg:$0x3];
	s3 =	simm.s32 $0x0;
	s10 =	sand.u32 $0x1, s0  }
0x5: {  	s20 =	simm.s32 $0xA0;
	s0 =	stileid.u32;
	s4 =	smul.u32 $0x4E200, s10  }
0x6: {  	s21 =	simm.s32 $0x0;
	[smem:$0x7FF] =	sst s3;
	s5 =	smul.u32 $0x4E20, s0  }
0x7: {  	s14 =	sadd.s32 $0x49A00, s6;
	_ =	strace $0x8000004A;
	s7 =	smul.u32 $0x50000, s0  }
0x8: {  	s8 =	ssub.s32 $0x2, s10;
	s12 =	smul.u32 $0x280, s0;
	p0 =	seq.s32 s10, $0x0  }
0x9: {  	s18 =	smul.u32 $0x2800, s0;
	s9 =	sshrl.u32 s8, $0x1;
	s14 =	smov.u32 @p0 s11  }
0xa: {  	s4 =	sadd.s32 s5, s4;
	s5 =	sadd.s32 $0x48600, s6;
	s7 =	sshrl.u32 s7, $0x2  }
0xb: {  	s13 =	ssub.s32 s8, s9;
	s15 =	sadd.s32 $0xA0, s12;
	s17 =	sadd.s32 $0x140, s12  }
0xc: {  	s12 =	sadd.s32 $0x1E0, s12;
	s11 =	sadd.s32 s14, s18;
	s18 =	simm.s32 $0x1  }
0xd: {  	s4 =	sshrl.u32 s4, $0x3;
	s29 =	sshll.u32 s15, $0x7;
	s30 =	sshll.u32 s17, $0x7  }
0xe: {  	s31 =	sshll.u32 s12, $0x7;
	s15 =	sshll.u32 s15, $0x4;
	s17 =	sshll.u32 s17, $0x4  }
0xf: {  	s19 =	sshll.u32 s12, $0x4;
	s10 =	smax.u32 s13, $0x1;
	s16 =	sadd.s32 s4, s6  }
0x10: {  	s4 =	sadd.s32 $0x49000, s6;
	s6 =	sadd.s32 s7, s2;
	s7 =	sadd.s32 s29, s2  }
0x11: {  	s8 =	sadd.s32 s30, s2;
	s9 =	sadd.s32 s31, s2;
	s12 =	sadd.s32 s14, s15  }
0x12: {  	s13 =	sadd.s32 s14, s17;
	s14 =	sadd.s32 s14, s19;
	s17 =	simm.s32 $0x200  }
0x13: {  	s19 =	simm.s32 $0x100;
	s15 =	sadd.s32 $0xD800, s16;
	s16 =	sadd.s32 $0x34C00, s16  }
.LBB2_1:
0x14: {  	[tilespmem:s17], [sflag:$0x1] =	stream.linear.gather [hbm4b:s5+s3], $0x5000, $0x38;
	[tilespmem:$0x19200] =	vst v63  }
0x15: {  	_ =	swait.ge [sflag:s18], $0x5000  }
0x16: {  	[sflag:s18] =	ssyncset.done $0x0  }
0x17: {  	[sflag:s18] =	ssyncadd.s32 $0xFFFFB000  }
0x18: {  	[spmem:s6] =	stream.linear.scatter [tilespmem:s17], [sflag:$0x1], $0x5000, $0x38;
	[tilespmem:$0x19200] =	vst v63  }
0x19: {  	_ =	swait.ge [sflag:s18], $0x5000  }
0x1a: {  	[sflag:s18] =	ssyncset.done $0x0  }
0x1b: {  	[sflag:s18] =	ssyncadd.s32 $0xFFFFB000  }
0x1c: {  	[spmem:s7] =	stream.linear.scatter [tilespmem:s17], [sflag:$0x1], $0x5000, $0x38;
	[tilespmem:$0x19200] =	vst v63  }
0x1d: {  	_ =	swait.ge [sflag:s18], $0x5000  }
0x1e: {  	[sflag:s18] =	ssyncset.done $0x0  }
0x1f: {  	[sflag:s18] =	ssyncadd.s32 $0xFFFFB000  }
0x20: {  	[spmem:s8] =	stream.linear.scatter [tilespmem:s17], [sflag:$0x1], $0x5000, $0x38;
	[tilespmem:$0x19200] =	vst v63  }
0x21: {  	_ =	swait.ge [sflag:s18], $0x5000  }
0x22: {  	[sflag:s18] =	ssyncset.done $0x0  }
0x23: {  	[sflag:s18] =	ssyncadd.s32 $0xFFFFB000  }
0x24: {  	[spmem:s9] =	stream.linear.scatter [tilespmem:s17], [sflag:$0x1], $0x5000, $0x38;
	[tilespmem:$0x19200] =	vst v63  }
0x25: {  	_ =	swait.ge [sflag:s18], $0x5000  }
0x26: {  	[sflag:s18] =	ssyncset.done $0x0  }
0x27: {  	[sflag:s18] =	ssyncadd.s32 $0xFFFFB000  }
0x28: {  	[tilespmem:s17], [sflag:$0x1] =	stream.linear.gather [hbm4b:s4+s3], $0x5000, $0x38;
	[tilespmem:$0x19200] =	vst v63  }
0x29: {  	_ =	swait.ge [sflag:s18], $0x5000  }
0x2a: {  	[sflag:s18] =	ssyncset.done $0x0  }
0x2b: {  	[sflag:s18] =	ssyncadd.s32 $0xFFFFB000  }
0x2c: {  	s22 =	sadd.s32 $0x0, s16;
	[bflag:$0x0] =	sbarrier.arrive $0xFFFF  }
0x2d: {  	[tilespmem:s3], [sflag:$0x1] =	stream.linear.gather [hbm4b:s22+s3], $0xA0, $0x38;
	[tilespmem:$0x19200] =	vst v63  }
0x2e: {  	_ =	swait.ge [sflag:s18], $0xA0  }
0x2f: {  	[sflag:s18] =	ssyncset.done $0x0  }
0x30: {  	s31 =	sadd.s32 $0x0, s15;
	[sflag:s18] =	ssyncadd.s32 $0xFFFFFF60  }
0x31: {  	[tilespmem:s19], [sflag:$0x1] =	stream.linear.gather [hbm4b:s31+s3], $0xA0, $0x38;
	[tilespmem:$0x19200] =	vst v63  }
0x32: {  	_ =	swait.ge [sflag:s18], $0xA0  }
0x33: {  	[sflag:s18] =	ssyncset.done $0x0  }
0x34: {  	[sflag:s18] =	ssyncadd.s32 $0xFFFFFF60  }
0x35: {  	[spmem:s2] =	stream.indirect.scatter.add.f32 [tilespmem:s17], [sflag:$0x1], $0x80, s3, s20, $0xb8;
	[tilespmem:$0x19200] =	vst v63  }
0x36: {  	_ =	swait.ge [sflag:s18], $0x5000  }
0x37: {  	[sflag:s18] =	ssyncset.done $0x0  }
0x38: {  	[sflag:s18] =	ssyncadd.s32 $0xFFFFB000  }
0x39: {  	[spmem:s2] =	stream.indirect.scatter.add.f32 [tilespmem:s17], [sflag:$0x1], $0x80, s19, s20, $0xb8;
	[tilespmem:$0x19200] =	vst v63  }
0x3a: {  	_ =	swait.ge [sflag:s18], $0x5000  }
0x3b: {  	s23 =	simm.s32 $0x28;
	s22 =	simm.s32 $0x14;
	[sflag:s18] =	ssyncset.done $0x0  }
.LBB2_2:
0x3c: {  	s24 =	sadd.s32 s22, s16  }
0x3d: {  	[sflag:s18] =	ssyncadd.s32 $0xFFFFB000;
	s25 =	smov.u32 s23;
	s26 =	sadd.s32 $0x14, s23  }
0x3e: {  	[tilespmem:s3], [sflag:$0x1] =	stream.linear.gather [hbm4b:s24+s3], $0xA0, $0x38;
	[tilespmem:$0x19200] =	vst v63  }
0x3f: {  	p0 =	sne.s32 s23, $0x9B0;
	_ =	swait.ge [sflag:s18], $0xA0  }
0x40: {  	[sflag:s18] =	ssyncset.done $0x0  }
0x41: {  	s23 =	sadd.s32 s22, s15;
	s22 =	smov.u32 s25;
	[sflag:s18] =	ssyncadd.s32 $0xFFFFFF60  }
0x42: {  	[tilespmem:s19], [sflag:$0x1] =	stream.linear.gather [hbm4b:s23+s3], $0xA0, $0x38;
	[tilespmem:$0x19200] =	vst v63  }
0x43: {  	_ =	swait.ge [sflag:s18], $0xA0  }
0x44: {  	[sflag:s18] =	ssyncset.done $0x0  }
0x45: {  	[sflag:s18] =	ssyncadd.s32 $0xFFFFFF60  }
0x46: {  	[spmem:s2] =	stream.indirect.scatter.add.f32 [tilespmem:s17], [sflag:$0x1], $0x80, s3, s20, $0xb8;
	[tilespmem:$0x19200] =	vst v63  }
0x47: {  	_ =	swait.ge [sflag:s18], $0x5000  }
.Ltmp0:
0x48: {  	[sflag:s18] =	ssyncset.done $0x0;
	(pc) =	sbr.rel @p0 .LBB2_2-.Ltmp0, $4  }
0x49: {  	[sflag:s18] =	ssyncadd.s32 $0xFFFFB000  }
0x4a: {  	[spmem:s2] =	stream.indirect.scatter.add.f32 [tilespmem:s17], [sflag:$0x1], $0x80, s19, s20, $0xb8;
	[tilespmem:$0x19200] =	vst v63  }
0x4b: {  	_ =	swait.ge [sflag:s18], $0x5000  }
0x4c: {  	s23 =	smov.u32 s26;
	[sflag:s18] =	ssyncset.done $0x0  }
0x4d: {  	s23 =	sadd.s32 s22, s16;
	[sflag:s18] =	ssyncadd.s32 $0xFFFFB000  }
0x4e: {  	[tilespmem:s3], [sflag:$0x1] =	stream.linear.gather [hbm4b:s23+s3], $0xA0, $0x38;
	[tilespmem:$0x19200] =	vst v63  }
0x4f: {  	_ =	swait.ge [sflag:s18], $0xA0  }
0x50: {  	[sflag:s18] =	ssyncset.done $0x0  }
0x51: {  	s31 =	sadd.s32 s22, s15;
	[sflag:s18] =	ssyncadd.s32 $0xFFFFFF60  }
0x52: {  	[tilespmem:s19], [sflag:$0x1] =	stream.linear.gather [hbm4b:s31+s3], $0xA0, $0x38;
	[tilespmem:$0x19200] =	vst v63  }
0x53: {  	_ =	swait.ge [sflag:s18], $0xA0  }
0x54: {  	[sflag:s18] =	ssyncset.done $0x0  }
0x55: {  	[sflag:s18] =	ssyncadd.s32 $0xFFFFFF60  }
0x56: {  	[spmem:s2] =	stream.indirect.scatter.add.f32 [tilespmem:s17], [sflag:$0x1], $0x80, s3, s20, $0xb8;
	[tilespmem:$0x19200] =	vst v63  }
0x57: {  	_ =	swait.ge [sflag:s18], $0x5000  }
0x58: {  	[sflag:s18] =	ssyncset.done $0x0  }
0x59: {  	[sflag:s18] =	ssyncadd.s32 $0xFFFFB000  }
0x5a: {  	[spmem:s2] =	stream.indirect.scatter.add.f32 [tilespmem:s17], [sflag:$0x1], $0x80, s19, s20, $0xb8;
	[tilespmem:$0x19200] =	vst v63  }
0x5b: {  	_ =	swait.ge [sflag:s18], $0x5000  }
0x5c: {  	[sflag:s18] =	ssyncset.done $0x0  }
0x5d: {  	[sflag:s18] =	ssyncadd.s32 $0xFFFFB000  }
0x5e: {  	[bflag:$0x0] =	sbarrier.arrive $0xFFFF  }
0x5f: {  	[tilespmem:s17], [sflag:$0x1] =	stream.linear.gather [spmem:s6], $0x5000, $0x38;
	[tilespmem:$0x19200] =	vst v63  }
0x60: {  	_ =	swait.ge [sflag:s18], $0x5000  }
0x61: {  	[sflag:s18] =	ssyncset.done $0x0  }
0x62: {  	[sflag:s18] =	ssyncadd.s32 $0xFFFFB000  }
0x63: {  	[hbm4b:s11+s3] =	stream.linear.scatter [tilespmem:s17], [sflag:$0x1], $0x5000, $0x38;
	[tilespmem:$0x19200] =	vst v63  }
0x64: {  	_ =	swait.ge [sflag:s18], $0x5000  }
0x65: {  	[sflag:s18] =	ssyncset.done $0x0  }
0x66: {  	[sflag:s18] =	ssyncadd.s32 $0xFFFFB000  }
0x67: {  	[tilespmem:s17], [sflag:$0x1] =	stream.linear.gather [spmem:s7], $0x5000, $0x38;
	[tilespmem:$0x19200] =	vst v63  }
0x68: {  	_ =	swait.ge [sflag:s18], $0x5000  }
0x69: {  	[sflag:s18] =	ssyncset.done $0x0  }
0x6a: {  	[sflag:s18] =	ssyncadd.s32 $0xFFFFB000  }
0x6b: {  	[hbm4b:s12+s3] =	stream.linear.scatter [tilespmem:s17], [sflag:$0x1], $0x5000, $0x38;
	[tilespmem:$0x19200] =	vst v63  }
0x6c: {  	_ =	swait.ge [sflag:s18], $0x5000  }
0x6d: {  	[sflag:s18] =	ssyncset.done $0x0  }
0x6e: {  	[sflag:s18] =	ssyncadd.s32 $0xFFFFB000  }
0x6f: {  	[tilespmem:s17], [sflag:$0x1] =	stream.linear.gather [spmem:s8], $0x5000, $0x38;
	[tilespmem:$0x19200] =	vst v63  }
0x70: {  	_ =	swait.ge [sflag:s18], $0x5000  }
0x71: {  	[sflag:s18] =	ssyncset.done $0x0  }
0x72: {  	[sflag:s18] =	ssyncadd.s32 $0xFFFFB000  }
0x73: {  	[hbm4b:s13+s3] =	stream.linear.scatter [tilespmem:s17], [sflag:$0x1], $0x5000, $0x38;
	[tilespmem:$0x19200] =	vst v63  }
0x74: {  	_ =	swait.ge [sflag:s18], $0x5000  }
0x75: {  	[sflag:s18] =	ssyncset.done $0x0  }
0x76: {  	[sflag:s18] =	ssyncadd.s32 $0xFFFFB000  }
0x77: {  	[tilespmem:s17], [sflag:$0x1] =	stream.linear.gather [spmem:s9], $0x5000, $0x38;
	[tilespmem:$0x19200] =	vst v63  }
0x78: {  	s21 =	sadd.s32 $0x1, s21;
	_ =	swait.ge [sflag:s18], $0x5000  }
0x79: {  	p0 =	sne.s32 s21, s10;
	[sflag:s18] =	ssyncset.done $0x0  }
.Ltmp1:
0x7a: {  	[sflag:s18] =	ssyncadd.s32 $0xFFFFB000;
	(pc) =	sbr.rel @p0 .LBB2_1-.Ltmp1, $4  }
0x7b: {  	[hbm4b:s14+s3] =	stream.linear.scatter [tilespmem:s17], [sflag:$0x1], $0x5000, $0x38;
	[tilespmem:$0x19200] =	vst v63  }
0x7c: {  	_ =	swait.ge [sflag:s18], $0x5000  }
0x7d: {  	[sflag:s18] =	ssyncset.done $0x0  }
0x7e: {  	[sflag:s18] =	ssyncadd.s32 $0xFFFFB000  }
0x7f: {  	_ =	sfence.sel $0x180000  }
0x80: {  	[bflag:$0x0] =	sbarrier.arrive $0xFFFF  }
0x81: {  	p0 =	sne.s32 s0, $0x0;
	_ =	strace $0x9000004A  }
0x82: {  	s0 =	sadd.s32 @!p0 $0x100000, s1;
	[bflag:$0x2] =	sbarrier.arrive $0xFFFF  }
0x83: {  	[sflag:s0] =	ssyncadd.tile.s32 @!p0 $0x1;
	_ =	shalt  }
.Lfunc_end2:
_tile_overlayer_lowered:
.L_overlay_start_2:
0x84: {  	(tag) =	ssettag $0x2  }
0x85: {  	s0 =	rddreg [dreg:$0x0];
	s2 =	stileid.u32  }
0x86: {  	s1 =	rddreg [dreg:$0x1];
	p0 =	sne.s32 s2, $0x0  }
0x87: {  	s3 =	rddreg [dreg:$0x2];
	[bflag:$0x3] =	sbarrier.arrive $0xFFFF;
	s2 =	simm.s32 @!p0 $0x1C01  }
0x88: {  	[timem:s3], [sflag:s2] =	dma.local @!p0 [hbm:s0], s1  }
0x89: {  	s0 =	simm.s32 @!p0 $0x1  }
0x8a: {  	_ =	swait.ge @!p0 [sflag:s0], s1  }
0x8b: {  	s1 =	ssub.s32 @!p0 $0x0, s1;
	[sflag:s0] =	ssyncset.done @!p0 $0x0  }
0x8c: {  	[sflag:s0] =	ssyncadd.s32 @!p0 s1  }
0x8d: {  	[bflag:$0x3] =	sbarrier.arrive $0xFFFF  }
0x8e: {  	_ =	shalt  }

// kernel: kernel.9.cloned.1.call-start
scs
__scs_entry_jumppad:
0x0: {  	(pc) =	sbr.rel $0x88, $3  }
0x1: {  	(tag) =	ssettag $0x0;
	lr =	simm.s32 $0x1  }
0x2: {  	[smem:$0x3F9B] =	sst lr;
	_ =	strace $0xD0000000  }
0x3: {  	_ = 	snop  }
0x4: {  	_ = 	snop  }
0x5: {  	_ = 	snop  }
0x6: {  	_ = 	snop  }
0x7: {  	_ = 	snop  }
__scs_overlays_trampoline_lowered:
0x8: {  	[smem:$0x3FAA] =	sst s0  }
0x9: {  	[smem:$0x3FAB] =	sst s1  }
0xa: {  	[smem:$0x3FAC] =	sst s2  }
0xb: {  	[smem:$0x3FAD] =	sst s3  }
0xc: {  	[smem:$0x3FAE] =	sst s4  }
0xd: {  	[smem:$0x3FAF] =	sst s5  }
0xe: {  	[smem:$0x3FB0] =	sst s6  }
0xf: {  	[smem:$0x3FB1] =	sst s7  }
0x10: {  	[smem:$0x3FB2] =	sst s8  }
0x11: {  	[smem:$0x3FB3] =	sst s9;
	s0 =	simm.s32 @!p0 $0x0  }
0x12: {  	s1 =	sld [smem:$0x3F99];
	s0 =	simm.s32 @p0 $0x1  }
0x13: {  	[smem:$0x3FB4] =	sst s0;
	s0 =	simm.s32 @!p1 $0x0  }
0x14: {  	s2 =	sld [smem:$0x3F98];
	s0 =	simm.s32 @p1 $0x1  }
0x15: {  	[smem:$0x3FB5] =	sst s0;
	s0 =	simm.s32 @!p2 $0x0  }
0x16: {  	s3 =	sld [smem:$0x3FDB];
	s0 =	simm.s32 @p2 $0x1  }
0x17: {  	s4 =	simm.s32 $0x1BF5;
	[smem:$0x3FB7] =	sst s0  }
0x18: {  	s0 =	sld [smem:$0x3F9A];
	_ =	swait.ge [sflag:s4], $0x0  }
0x19: {  	s7 =	sld [smem:$0x3F9B]  }
0x1a: {  	s8 =	sadd.s32 $0xFFFFE003, lr  }
0x1b: {  	s9 =	sadd.s32 $0xFFFFFEF7, lr;
	s5 =	simm.s32 $0xFFFFFFFF;
	p2 =	slt.u32 s8, $0xFFFFF086  }
0x1c: {  	p1 =	slt.u32 s9, $0xF7A;
	s5 =	simm.s32 @!p2 $0x0  }
0x1d: {  	s5 =	simm.s32 @p1 $0x1;
	p0 =	seq.s32 s7, s2  }
0x1e: {  	s7 =	smul.u32 @!p0 $0xF7A, s2;
	p2 =	seq.s32 @!p0 s5, $0x0  }
0x1f: {  	s9 =	smul.u32 $0xF7A, s1;
	s8 =	simm.s32 @!p0 $0x1BF5;
	p2 =	por !p2, p0  }
0x20: {  	[sflag:s8] =	ssyncset.s32 @!p0 $0xFFFFF086;
	s6 =	sadd.s32 @!p0 s3, s7;
	s7 =	simm.s32 @!p0 $0x108  }
0x21: {  	s3 =	sadd.s32 s3, s9;
	s6 =	sadd.s32 @!p0 $0x88, s6;
	s7 =	simm.s32 @p2 $0x1082  }
0x22: {  	[simem:s7], [sflag:s8] =	dma.local @!p0 [hbm:s6], $0xF7A  }
0x23: {  	s9 =	sor.u32 $0xD0000000, s2;
	s6 =	simm.s32 $0x108;
	_ =	swait.ge @!p0 [sflag:s8], $0x0  }
0x24: {  	s3 =	sadd.s32 $0x88, s3;
	s6 =	simm.s32 @!p1 $0x1082;
	[sflag:s4] =	ssyncset.s32 $0xFFFFF086  }
0x25: {  	[simem:s6], [sflag:s4] =	dma.local [hbm:s3], $0xF7A  }
0x26: {  	[smem:$0x3F9B] =	sst s1;
	(tag) =	ssettag s2;
	_ =	strace s9  }
0x27: {  	s1 =	sld [smem:$0x3FAB]  }
0x28: {  	s2 =	sld [smem:$0x3FAC]  }
0x29: {  	s4 =	sld [smem:$0x3FAE]  }
0x2a: {  	p0 =	seq.s32 s5, $0x0;
	s5 =	sld [smem:$0x3FAF]  }
0x2b: {  	s6 =	sld [smem:$0x3FB0]  }
0x2c: {  	s7 =	sld [smem:$0x3FB1]  }
0x2d: {  	s3 =	simm.s32 $0x108;
	s8 =	sld [smem:$0x3FB2]  }
0x2e: {  	s3 =	simm.s32 @!p0 $0x1082;
	s9 =	sld [smem:$0x3FB3]  }
0x2f: {  	lr =	sadd.s32 s0, s3;
	s0 =	sld [smem:$0x3FAA]  }
0x30: {  	s3 =	sld [smem:$0x3FAD]  }
0x31: {  	[smem:$0x3FB6] =	sst s10  }
0x32: {  	s10 =	sld [smem:$0x3FB4];
	_ =	sdelay $0x3  }
0x33: {  	p0 =	seq.s32 s10, $0x1;
	s10 =	sld [smem:$0x3FB6];
	_ =	sdelay $0x3  }
0x34: {  	[smem:$0x3FB6] =	sst s10  }
0x35: {  	s10 =	sld [smem:$0x3FB5];
	_ =	sdelay $0x3  }
0x36: {  	p1 =	seq.s32 s10, $0x1;
	s10 =	sld [smem:$0x3FB6];
	_ =	sdelay $0x3  }
0x37: {  	[smem:$0x3FB6] =	sst s10  }
0x38: {  	s10 =	sld [smem:$0x3FB7]  }
0x39: {  	_ = 	snop;
	(pc) =	sbr.ind lr, $3  }
0x3a: {  	_ = 	snop  }
0x3b: {  	_ = 	snop  }
0x3c: {  	p2 =	seq.s32 s10, $0x1;
	s10 =	sld [smem:$0x3FB6]  }
0x3d: {  	_ =	shalt  }
0x3e: {  	_ =	shalt  }
0x3f: {  	_ =	shalt  }
0x40: {  	_ =	shalt  }
0x41: {  	_ =	shalt  }
0x42: {  	_ =	shalt  }
0x43: {  	_ =	shalt  }
0x44: {  	_ =	shalt  }
0x45: {  	_ =	shalt  }
0x46: {  	_ =	shalt  }
0x47: {  	_ =	shalt  }
0x48: {  	_ =	shalt  }
0x49: {  	_ =	shalt  }
0x4a: {  	_ =	shalt  }
0x4b: {  	_ =	shalt  }
0x4c: {  	_ =	shalt  }
0x4d: {  	_ =	shalt  }
0x4e: {  	_ =	shalt  }
0x4f: {  	_ =	shalt  }
0x50: {  	_ =	shalt  }
0x51: {  	_ =	shalt  }
0x52: {  	_ =	shalt  }
0x53: {  	_ =	shalt  }
0x54: {  	_ =	shalt  }
0x55: {  	_ =	shalt  }
0x56: {  	_ =	shalt  }
0x57: {  	_ =	shalt  }
0x58: {  	_ =	shalt  }
0x59: {  	_ =	shalt  }
0x5a: {  	_ =	shalt  }
0x5b: {  	_ =	shalt  }
0x5c: {  	_ =	shalt  }
0x5d: {  	_ =	shalt  }
0x5e: {  	_ =	shalt  }
0x5f: {  	_ =	shalt  }
0x60: {  	_ =	shalt  }
0x61: {  	_ =	shalt  }
0x62: {  	_ =	shalt  }
0x63: {  	_ =	shalt  }
0x64: {  	_ =	shalt  }
0x65: {  	_ =	shalt  }
0x66: {  	_ =	shalt  }
0x67: {  	_ =	shalt  }
0x68: {  	_ =	shalt  }
0x69: {  	_ =	shalt  }
0x6a: {  	_ =	shalt  }
0x6b: {  	_ =	shalt  }
0x6c: {  	_ =	shalt  }
0x6d: {  	_ =	shalt  }
0x6e: {  	_ =	shalt  }
0x6f: {  	_ =	shalt  }
0x70: {  	_ =	shalt  }
0x71: {  	_ =	shalt  }
0x72: {  	_ =	shalt  }
0x73: {  	_ =	shalt  }
0x74: {  	_ =	shalt  }
0x75: {  	_ =	shalt  }
0x76: {  	_ =	shalt  }
0x77: {  	_ =	shalt  }
0x78: {  	_ =	shalt  }
0x79: {  	_ =	shalt  }
0x7a: {  	_ =	shalt  }
0x7b: {  	_ =	shalt  }
0x7c: {  	_ =	shalt  }
0x7d: {  	_ =	shalt  }
0x7e: {  	_ =	shalt  }
0x7f: {  	_ =	shalt  }
0x80: {  	_ =	shalt  }
0x81: {  	_ =	shalt  }
0x82: {  	_ =	shalt  }
0x83: {  	_ =	shalt  }
0x84: {  	_ =	shalt  }
0x85: {  	_ =	shalt  }
0x86: {  	_ =	shalt  }
0x87: {  	_ =	shalt  }
.Lfunc_end0:
.L_simem_size_0:
called_computation.3_lowered:
.L_overlay_start_0:
0x88: {  	s2 =	sld [smem:$0x3FD9]  }
0x89: {  	s3 =	sld [smem:$0x3FFE];
	_ =	sdelay $0x1  }
0x8a: {  	s1 =	srdreg.scid  }
0x8b: {  	s0 =	sand.u32 $0x1, s1  }
0x8c: {  	s17 =	sshll.u32 s0, $0xA;
	s2 =	sadd.s32 s3, s2  }
0x8d: {  	s2 =	sadd.s32 s2, s17  }
0x8e: {  	[smem:$0x3FC2] =	sst s2  }
0x8f: {  	_ = 	snop  }
0x90: {  	s2 =	sld [smem:$0x3FD0];
	(tm) =	ssettm $0x1  }
0x91: {  	s18 =	sld [smem:$0x3FFB];
	_ =	sdelay $0x3  }
0x92: {  	_ =	strace s18  }
0x93: {  	s3 =	sld [smem:$0x3FFC];
	_ =	sdelay $0x3  }
0x94: {  	_ =	strace s3  }
0x95: {  	s3 =	sld [smem:$0x3FFD];
	_ =	sdelay $0x3  }
0x96: {  	_ =	strace s3  }
0x97: {  	_ =	strace $0x8FFFFFFF  }
0x98: {  	s19 =	sld [smem:$0x3FDB];
	_ =	sdelay $0x1  }
0x99: {  	s4 =	simm.s32 $_scs_section_size  }
0x9a: {  	s5 =	simm.s32 $_size__tile_overlayer_lowered;
	s6 =	simm.s32 $_tile_overlayer_lowered  }
0x9b: {  	s22 =	simm.s32 $0x1BFF;
	s21 =	sshll.u32 s6, $0x1;
	s3 =	sadd.s32 s4, s19  }
0x9c: {  	s7 =	simm.s32 $0x0;
	s20 =	sshll.u32 s5, $0x1;
	s5 =	sadd.s32 s21, s3  }
0x9d: {  	[timem:s7], [sflag:s22] =	dma.local [hbm:s5], s20  }
0x9e: {  	_ =	swait.ge [sflag:s22], s20  }
0x9f: {  	s4 =	ssub.s32 $0x0, s20;
	[sflag:s22] =	ssyncset.done $0x0  }
0xa0: {  	[sflag:s22] =	ssyncadd.s32 s4;
	_ =	sdelay $0x1  }
0xa1: {  	s23 =	simm.s32 $0x1B8B  }
0xa2: {  	_ =	swait.ge [sflag:s23], $0x1  }
0xa3: {  	[sflag:s23] =	ssyncset.done $0x0  }
0xa4: {  	s25 =	simm.s32 $0x1B8E;
	s24 =	sld [smem:$0x3FFE];
	[sflag:s23] =	ssyncadd.s32 $0xFFFFFFFF  }
0xa5: {  	s26 =	simm.s32 $execute0_lowered;
	[smem:$0x3FD2] =	sst s25  }
0xa6: {  	s5 =	sshll.u32 s26, $0x1;
	_ =	strace $0x8000004C;
	[dreg:$0x1] =	wrdreg $0xFFFFFFFF  }
0xa7: {  	s28 =	simm.s32 $_size_execute0_lowered;
	s3 =	sadd.s32 s3, s5;
	[dreg:$0x0] =	wrdreg $0x0  }
0xa8: {  	s5 =	sshll.u32 s28, $0x1;
	[dreg:$0x2] =	wrdreg s3  }
0xa9: {  	[dreg:$0x3] =	wrdreg s5  }
0xaa: {  	[dreg:$0x4] =	wrdreg $0xC0  }
0xab: {  	_ =	task [dreg:s7], $0x5FFFF  }
0xac: {  	[dreg:$0x1] =	wrdreg $0xFFFFFFFF  }
0xad: {  	[dreg:$0x0] =	wrdreg $0x60  }
0xae: {  	[dreg:$0x2] =	wrdreg s24  }
0xaf: {  	[dreg:$0x3] =	wrdreg s2  }
0xb0: {  	[dreg:$0x4] =	wrdreg $0xA4000  }
0xb1: {  	[dreg:$0x5] =	wrdreg $0x9  }
0xb2: {  	_ =	task.clear_ibuf [dreg:s7], $0x6FFFF;
	_ =	strace $0x9000004C  }
0xb3: {  	s29 =	simm.s32 $0x9;
	_ =	strace $0x8000004E  }
0xb4: {  	_ =	swait.ge [sflag:s29], $0x1  }
0xb5: {  	[sflag:s29] =	ssyncadd.s32 $0xFFFFFFFF  }
0xb6: {  	_ =	strace $0x9000004E  }
0xb7: {  	_ =	sfence  }
0xb8: {  	s30 =	sld [smem:$0x0];
	_ =	sdelay $0x2  }
0xb9: {  	s31 =	sshll.u32 s1, $0xD;
	s1 =	sshrl.u32 s1, $0x2  }
0xba: {  	s3 =	sand.u32 $0x4000, s31;
	s1 =	sadd.s32 s1, s30  }
0xbb: {  	s0 =	sor.u32 s3, s0;
	s1 =	sshll.u32 s1, $0x11  }
0xbc: {  	s0 =	sor.u32 s1, s0  }
0xbd: {  	s0 =	sadd.s32 $0x8F2B, s0  }
0xbe: {  	[sflag:s0] =	ssyncadd.remote.s32 $0x1  }
0xbf: {  	_ =	sfence.sel $0xFFFF  }
0xc0: {  	[dreg:$0x0] =	wrdreg $0xFFFFFFFF;
	(pc) =	sbr.abs _section_cstart, $3  }
0xc1: {  	[dreg:$0x1] =	wrdreg $0xFFFFFFFF  }
0xc2: {  	_ =	task.clear_ibuf [dreg:s7], $0x2FFFF;
	_ =	strace $0x9FFFFFFF  }
0xc3: {  	(tm) =	ssettm $0x7FFFFFFF  }
tec
execute0_lowered:
.L_overlay_start_1:
0x0: {  	(tag) =	ssettag $0x1  }
0x1: {  	s10 =	rddreg [dreg:$0x0]  }
0x2: {  	s0 =	stileid.u32;
	s1 =	srdreg.scid  }
0x3: {  	s2 =	rddreg [dreg:$0x1];
	s5 =	smul.u32 $0x9C4, s0  }
0x4: {  	s3 =	rddreg [dreg:$0x2];
	s4 =	simm.s32 $0x0;
	s7 =	smul.u32 $0x4E20, s0  }
0x5: {  	s20 =	simm.s32 $0x2;
	s21 =	simm.s32 $0x100;
	s26 =	smul.u32 $0x50000, s0  }
0x6: {  	s22 =	simm.s32 $0x200;
	s23 =	simm.s32 $0x300;
	s9 =	smul.u32 $0x280, s0  }
0x7: {  	s11 =	sand.u32 $0x1, s1;
	[smem:$0x7FF] =	sst s4;
	s16 =	smul.u32 $0x2800, s0  }
0x8: {  	s28 =	simm.s32 $0x0;
	s6 =	smul.u32 $0x4E200, s11;
	_ =	strace $0x8000004D  }
0x9: {  	s25 =	ssub.s32 $0x2, s11;
	p0 =	seq.s32 s11, $0x0;
	s11 =	simm.s32 $0x49000  }
0xa: {  	s18 =	sadd.s32 s5, s10;
	s8 =	sshrl.u32 s25, $0x1;
	s29 =	sshrl.u32 s26, $0x2  }
0xb: {  	s13 =	sadd.s32 $0xA0, s9;
	s14 =	sadd.s32 $0x140, s9;
	s15 =	sadd.s32 $0x1E0, s9  }
0xc: {  	s11 =	simm.s32 @!p0 $0x71000;
	s26 =	simm.s32 $0x5400;
	s24 =	sadd.s32 s7, s6  }
0xd: {  	s12 =	ssub.s32 s25, s8;
	s6 =	sadd.s32 s29, s3;
	s30 =	sshll.u32 s13, $0x7  }
0xe: {  	s31 =	sshll.u32 s14, $0x7;
	s9 =	sshll.u32 s15, $0x7;
	s13 =	sshll.u32 s13, $0x4  }
0xf: {  	s14 =	sshll.u32 s14, $0x4;
	s15 =	sshll.u32 s15, $0x4;
	s19 =	sadd.s32 s11, s10  }
0x10: {  	s18 =	sadd.s32 $0x3A00, s18;
	s25 =	simm.s32 $0x1;
	s5 =	sshrl.u32 s24, $0x3  }
0x11: {  	s7 =	sadd.s32 s30, s3;
	s8 =	sadd.s32 s31, s3;
	s9 =	sadd.s32 s9, s3  }
0x12: {  	s11 =	sadd.s32 s19, s16;
	s24 =	simm.s32 $0xA0;
	s17 =	sadd.s32 s5, s10  }
0x13: {  	s5 =	sadd.s32 $0x48600, s10;
	s10 =	smax.u32 s12, $0x1;
	s12 =	sadd.s32 s19, s13  }
0x14: {  	s13 =	sadd.s32 s19, s14;
	s14 =	sadd.s32 s19, s15;
	s19 =	simm.s32 $0x400  }
0x15: {  	s15 =	sadd.s32 $0xD800, s17;
	s16 =	sadd.s32 $0x34C00, s17;
	s17 =	sadd.s32 $0x21200, s17  }
.LBB2_1:
0x16: {  	[tilespmem:s19], [sflag:$0x2] =	stream.linear.gather [hbm4b:s5+s4], $0x5000, $0x38;
	[tilespmem:$0x1E400] =	vst v63  }
0x17: {  	_ =	swait.ge [sflag:s20], $0x5000  }
0x18: {  	[sflag:s20] =	ssyncset.done $0x0  }
0x19: {  	[sflag:s20] =	ssyncadd.s32 $0xFFFFB000  }
0x1a: {  	[spmem:s6] =	stream.linear.scatter [tilespmem:s19], [sflag:$0x2], $0x5000, $0x38;
	[tilespmem:$0x1E400] =	vst v63  }
0x1b: {  	_ =	swait.ge [sflag:s20], $0x5000  }
0x1c: {  	[sflag:s20] =	ssyncset.done $0x0  }
0x1d: {  	[sflag:s20] =	ssyncadd.s32 $0xFFFFB000  }
0x1e: {  	[spmem:s7] =	stream.linear.scatter [tilespmem:s19], [sflag:$0x2], $0x5000, $0x38;
	[tilespmem:$0x1E400] =	vst v63  }
0x1f: {  	_ =	swait.ge [sflag:s20], $0x5000  }
0x20: {  	[sflag:s20] =	ssyncset.done $0x0  }
0x21: {  	[sflag:s20] =	ssyncadd.s32 $0xFFFFB000  }
0x22: {  	[spmem:s8] =	stream.linear.scatter [tilespmem:s19], [sflag:$0x2], $0x5000, $0x38;
	[tilespmem:$0x1E400] =	vst v63  }
0x23: {  	_ =	swait.ge [sflag:s20], $0x5000  }
0x24: {  	[sflag:s20] =	ssyncset.done $0x0  }
0x25: {  	[sflag:s20] =	ssyncadd.s32 $0xFFFFB000  }
0x26: {  	[spmem:s9] =	stream.linear.scatter [tilespmem:s19], [sflag:$0x2], $0x5000, $0x38;
	[tilespmem:$0x1E400] =	vst v63  }
0x27: {  	_ =	swait.ge [sflag:s20], $0x5000  }
0x28: {  	[sflag:s20] =	ssyncset.done $0x0  }
0x29: {  	[sflag:s20] =	ssyncadd.s32 $0xFFFFB000  }
0x2a: {  	s29 =	sadd.s32 $0x0, s18;
	[bflag:$0x0] =	sbarrier.arrive $0xFFFF  }
0x2b: {  	[tilespmem:s4], [sflag:$0x2] =	stream.linear.gather [hbm4b:s29+s4], $0xA0, $0x38;
	[tilespmem:$0x1E400] =	vst v63  }
0x2c: {  	_ =	swait.ge [sflag:s20], $0xA0  }
0x2d: {  	[sflag:s20] =	ssyncset.done $0x0  }
0x2e: {  	s29 =	sadd.s32 $0x0, s17;
	[sflag:s20] =	ssyncadd.s32 $0xFFFFFF60  }
0x2f: {  	[tilespmem:s21], [sflag:$0x2] =	stream.linear.gather [hbm4b:s29+s4], $0xA0, $0x38;
	[tilespmem:$0x1E400] =	vst v63  }
0x30: {  	_ =	swait.ge [sflag:s20], $0xA0  }
0x31: {  	[sflag:s20] =	ssyncset.done $0x0  }
0x32: {  	s29 =	sadd.s32 $0x0, s16;
	[sflag:s20] =	ssyncadd.s32 $0xFFFFFF60  }
0x33: {  	[tilespmem:s22], [sflag:$0x2] =	stream.linear.gather [hbm4b:s29+s4], $0xA0, $0x38;
	[tilespmem:$0x1E400] =	vst v63  }
0x34: {  	_ =	swait.ge [sflag:s20], $0xA0  }
0x35: {  	[sflag:s20] =	ssyncset.done $0x0  }
0x36: {  	s29 =	sadd.s32 $0x0, s15;
	[sflag:s20] =	ssyncadd.s32 $0xFFFFFF60  }
0x37: {  	[tilespmem:s23], [sflag:$0x2] =	stream.linear.gather [hbm4b:s29+s4], $0xA0, $0x38;
	[tilespmem:$0x1E400] =	vst v63  }
0x38: {  	_ =	swait.ge [sflag:s20], $0xA0  }
0x39: {  	[sflag:s20] =	ssyncset.done $0x0  }
0x3a: {  	[sflag:s20] =	ssyncadd.s32 $0xFFFFFF60  }
0x3b: {  	[tilespmem:s19], [sflag:$0x1] =	stream.indirect.gather [hbm4b:s2+s24], $0x80, s4, s24, $0xb8;
	[tilespmem:$0x1E400] =	vst v63  }
0x3c: {  	_ =	swait.ge [sflag:s25], $0x5000  }
0x3d: {  	[sflag:s25] =	ssyncset.done $0x0  }
0x3e: {  	[sflag:s25] =	ssyncadd.s32 $0xFFFFB000  }
0x3f: {  	[spmem:s3] =	stream.indirect.scatter.add.f32 [tilespmem:s19], [sflag:$0x2], $0x80, s22, s24, $0xb8;
	[tilespmem:$0x1E400] =	vst v63  }
0x40: {  	_ =	swait.ge [sflag:s20], $0x5000  }
0x41: {  	[sflag:s20] =	ssyncset.done $0x0  }
0x42: {  	[sflag:s20] =	ssyncadd.s32 $0xFFFFB000  }
0x43: {  	[tilespmem:s26], [sflag:$0x1] =	stream.indirect.gather [hbm4b:s2+s24], $0x80, s21, s24, $0xb8;
	[tilespmem:$0x1E400] =	vst v63  }
0x44: {  	_ =	swait.ge [sflag:s25], $0x5000  }
0x45: {  	[sflag:s25] =	ssyncset.done $0x0  }
0x46: {  	[sflag:s25] =	ssyncadd.s32 $0xFFFFB000  }
0x47: {  	[spmem:s3] =	stream.indirect.scatter.add.f32 [tilespmem:s26], [sflag:$0x2], $0x80, s23, s24, $0xb8;
	[tilespmem:$0x1E400] =	vst v63  }
0x48: {  	_ =	swait.ge [sflag:s20], $0x5000  }
0x49: {  	s31 =	simm.s32 $0x28;
	s29 =	simm.s32 $0x14;
	[sflag:s20] =	ssyncset.done $0x0  }
.LBB2_2:
0x4a: {  	s1 =	sadd.s32 s29, s18  }
0x4b: {  	[sflag:s20] =	ssyncadd.s32 $0xFFFFB000;
	s0 =	smov.u32 s31;
	s30 =	sadd.s32 $0x14, s31  }
0x4c: {  	[tilespmem:s4], [sflag:$0x2] =	stream.linear.gather [hbm4b:s1+s4], $0xA0, $0x38;
	[tilespmem:$0x1E400] =	vst v63  }
0x4d: {  	p0 =	sne.s32 s31, $0x9B0;
	_ =	swait.ge [sflag:s20], $0xA0  }
0x4e: {  	[sflag:s20] =	ssyncset.done $0x0  }
0x4f: {  	s1 =	sadd.s32 s29, s17;
	[sflag:s20] =	ssyncadd.s32 $0xFFFFFF60  }
0x50: {  	[tilespmem:s21], [sflag:$0x2] =	stream.linear.gather [hbm4b:s1+s4], $0xA0, $0x38;
	[tilespmem:$0x1E400] =	vst v63  }
0x51: {  	_ =	swait.ge [sflag:s20], $0xA0  }
0x52: {  	[sflag:s20] =	ssyncset.done $0x0  }
0x53: {  	s1 =	sadd.s32 s29, s16;
	[sflag:s20] =	ssyncadd.s32 $0xFFFFFF60  }
0x54: {  	[tilespmem:s22], [sflag:$0x2] =	stream.linear.gather [hbm4b:s1+s4], $0xA0, $0x38;
	[tilespmem:$0x1E400] =	vst v63  }
0x55: {  	_ =	swait.ge [sflag:s20], $0xA0  }
0x56: {  	[sflag:s20] =	ssyncset.done $0x0  }
0x57: {  	s1 =	sadd.s32 s29, s15;
	s29 =	smov.u32 s0;
	[sflag:s20] =	ssyncadd.s32 $0xFFFFFF60  }
0x58: {  	[tilespmem:s23], [sflag:$0x2] =	stream.linear.gather [hbm4b:s1+s4], $0xA0, $0x38;
	[tilespmem:$0x1E400] =	vst v63  }
0x59: {  	_ =	swait.ge [sflag:s20], $0xA0  }
0x5a: {  	[sflag:s20] =	ssyncset.done $0x0  }
0x5b: {  	[sflag:s20] =	ssyncadd.s32 $0xFFFFFF60  }
0x5c: {  	[tilespmem:s19], [sflag:$0x1] =	stream.indirect.gather [hbm4b:s2+s24], $0x80, s4, s24, $0xb8;
	[tilespmem:$0x1E400] =	vst v63  }
0x5d: {  	_ =	swait.ge [sflag:s25], $0x5000  }
0x5e: {  	[sflag:s25] =	ssyncset.done $0x0  }
0x5f: {  	[sflag:s25] =	ssyncadd.s32 $0xFFFFB000  }
0x60: {  	[spmem:s3] =	stream.indirect.scatter.add.f32 [tilespmem:s19], [sflag:$0x2], $0x80, s22, s24, $0xb8;
	[tilespmem:$0x1E400] =	vst v63  }
0x61: {  	_ =	swait.ge [sflag:s20], $0x5000  }
0x62: {  	[sflag:s20] =	ssyncset.done $0x0  }
0x63: {  	[sflag:s20] =	ssyncadd.s32 $0xFFFFB000  }
0x64: {  	[tilespmem:s26], [sflag:$0x1] =	stream.indirect.gather [hbm4b:s2+s24], $0x80, s21, s24, $0xb8;
	[tilespmem:$0x1E400] =	vst v63  }
0x65: {  	_ =	swait.ge [sflag:s25], $0x5000  }
.Ltmp0:
0x66: {  	[sflag:s25] =	ssyncset.done $0x0;
	(pc) =	sbr.rel @p0 .LBB2_2-.Ltmp0, $4  }
0x67: {  	[sflag:s25] =	ssyncadd.s32 $0xFFFFB000  }
0x68: {  	[spmem:s3] =	stream.indirect.scatter.add.f32 [tilespmem:s26], [sflag:$0x2], $0x80, s23, s24, $0xb8;
	[tilespmem:$0x1E400] =	vst v63  }
0x69: {  	_ =	swait.ge [sflag:s20], $0x5000  }
0x6a: {  	s31 =	smov.u32 s30;
	[sflag:s20] =	ssyncset.done $0x0  }
0x6b: {  	s0 =	sadd.s32 s29, s18;
	[sflag:s20] =	ssyncadd.s32 $0xFFFFB000  }
0x6c: {  	[tilespmem:s4], [sflag:$0x2] =	stream.linear.gather [hbm4b:s0+s4], $0xA0, $0x38;
	[tilespmem:$0x1E400] =	vst v63  }
0x6d: {  	_ =	swait.ge [sflag:s20], $0xA0  }
0x6e: {  	[sflag:s20] =	ssyncset.done $0x0  }
0x6f: {  	s1 =	sadd.s32 s29, s17;
	[sflag:s20] =	ssyncadd.s32 $0xFFFFFF60  }
0x70: {  	[tilespmem:s21], [sflag:$0x2] =	stream.linear.gather [hbm4b:s1+s4], $0xA0, $0x38;
	[tilespmem:$0x1E400] =	vst v63  }
0x71: {  	_ =	swait.ge [sflag:s20], $0xA0  }
0x72: {  	[sflag:s20] =	ssyncset.done $0x0  }
0x73: {  	s30 =	sadd.s32 s29, s16;
	[sflag:s20] =	ssyncadd.s32 $0xFFFFFF60  }
0x74: {  	[tilespmem:s22], [sflag:$0x2] =	stream.linear.gather [hbm4b:s30+s4], $0xA0, $0x38;
	[tilespmem:$0x1E400] =	vst v63  }
0x75: {  	_ =	swait.ge [sflag:s20], $0xA0  }
0x76: {  	[sflag:s20] =	ssyncset.done $0x0  }
0x77: {  	s31 =	sadd.s32 s29, s15;
	[sflag:s20] =	ssyncadd.s32 $0xFFFFFF60  }
0x78: {  	[tilespmem:s23], [sflag:$0x2] =	stream.linear.gather [hbm4b:s31+s4], $0xA0, $0x38;
	[tilespmem:$0x1E400] =	vst v63  }
0x79: {  	_ =	swait.ge [sflag:s20], $0xA0  }
0x7a: {  	[sflag:s20] =	ssyncset.done $0x0  }
0x7b: {  	[sflag:s20] =	ssyncadd.s32 $0xFFFFFF60  }
0x7c: {  	[tilespmem:s19], [sflag:$0x1] =	stream.indirect.gather [hbm4b:s2+s24], $0x80, s4, s24, $0xb8;
	[tilespmem:$0x1E400] =	vst v63  }
0x7d: {  	_ =	swait.ge [sflag:s25], $0x5000  }
0x7e: {  	[sflag:s25] =	ssyncset.done $0x0  }
0x7f: {  	[sflag:s25] =	ssyncadd.s32 $0xFFFFB000  }
0x80: {  	[spmem:s3] =	stream.indirect.scatter.add.f32 [tilespmem:s19], [sflag:$0x2], $0x80, s22, s24, $0xb8;
	[tilespmem:$0x1E400] =	vst v63  }
0x81: {  	_ =	swait.ge [sflag:s20], $0x5000  }
0x82: {  	[sflag:s20] =	ssyncset.done $0x0  }
0x83: {  	[sflag:s20] =	ssyncadd.s32 $0xFFFFB000  }
0x84: {  	[tilespmem:s26], [sflag:$0x1] =	stream.indirect.gather [hbm4b:s2+s24], $0x80, s21, s24, $0xb8;
	[tilespmem:$0x1E400] =	vst v63  }
0x85: {  	_ =	swait.ge [sflag:s25], $0x5000  }
0x86: {  	[sflag:s25] =	ssyncset.done $0x0  }
0x87: {  	[sflag:s25] =	ssyncadd.s32 $0xFFFFB000  }
0x88: {  	[spmem:s3] =	stream.indirect.scatter.add.f32 [tilespmem:s26], [sflag:$0x2], $0x80, s23, s24, $0xb8;
	[tilespmem:$0x1E400] =	vst v63  }
0x89: {  	_ =	swait.ge [sflag:s20], $0x5000  }
0x8a: {  	[sflag:s20] =	ssyncset.done $0x0  }
0x8b: {  	[sflag:s20] =	ssyncadd.s32 $0xFFFFB000  }
0x8c: {  	[bflag:$0x0] =	sbarrier.arrive $0xFFFF  }
0x8d: {  	[tilespmem:s19], [sflag:$0x2] =	stream.linear.gather [spmem:s6], $0x5000, $0x38;
	[tilespmem:$0x1E400] =	vst v63  }
0x8e: {  	_ =	swait.ge [sflag:s20], $0x5000  }
0x8f: {  	[sflag:s20] =	ssyncset.done $0x0  }
0x90: {  	[sflag:s20] =	ssyncadd.s32 $0xFFFFB000  }
0x91: {  	[hbm4b:s11+s4] =	stream.linear.scatter [tilespmem:s19], [sflag:$0x2], $0x5000, $0x38;
	[tilespmem:$0x1E400] =	vst v63  }
0x92: {  	_ =	swait.ge [sflag:s20], $0x5000  }
0x93: {  	[sflag:s20] =	ssyncset.done $0x0  }
0x94: {  	[sflag:s20] =	ssyncadd.s32 $0xFFFFB000  }
0x95: {  	[tilespmem:s19], [sflag:$0x2] =	stream.linear.gather [spmem:s7], $0x5000, $0x38;
	[tilespmem:$0x1E400] =	vst v63  }
0x96: {  	_ =	swait.ge [sflag:s20], $0x5000  }
0x97: {  	[sflag:s20] =	ssyncset.done $0x0  }
0x98: {  	[sflag:s20] =	ssyncadd.s32 $0xFFFFB000  }
0x99: {  	[hbm4b:s12+s4] =	stream.linear.scatter [tilespmem:s19], [sflag:$0x2], $0x5000, $0x38;
	[tilespmem:$0x1E400] =	vst v63  }
0x9a: {  	_ =	swait.ge [sflag:s20], $0x5000  }
0x9b: {  	[sflag:s20] =	ssyncset.done $0x0  }
0x9c: {  	[sflag:s20] =	ssyncadd.s32 $0xFFFFB000  }
0x9d: {  	[tilespmem:s19], [sflag:$0x2] =	stream.linear.gather [spmem:s8], $0x5000, $0x38;
	[tilespmem:$0x1E400] =	vst v63  }
0x9e: {  	_ =	swait.ge [sflag:s20], $0x5000  }
0x9f: {  	[sflag:s20] =	ssyncset.done $0x0  }
0xa0: {  	[sflag:s20] =	ssyncadd.s32 $0xFFFFB000  }
0xa1: {  	[hbm4b:s13+s4] =	stream.linear.scatter [tilespmem:s19], [sflag:$0x2], $0x5000, $0x38;
	[tilespmem:$0x1E400] =	vst v63  }
0xa2: {  	_ =	swait.ge [sflag:s20], $0x5000  }
0xa3: {  	[sflag:s20] =	ssyncset.done $0x0  }
0xa4: {  	[sflag:s20] =	ssyncadd.s32 $0xFFFFB000  }
0xa5: {  	[tilespmem:s19], [sflag:$0x2] =	stream.linear.gather [spmem:s9], $0x5000, $0x38;
	[tilespmem:$0x1E400] =	vst v63  }
0xa6: {  	s28 =	sadd.s32 $0x1, s28;
	_ =	swait.ge [sflag:s20], $0x5000  }
0xa7: {  	p0 =	sne.s32 s28, s10;
	[sflag:s20] =	ssyncset.done $0x0  }
.Ltmp1:
0xa8: {  	[sflag:s20] =	ssyncadd.s32 $0xFFFFB000;
	(pc) =	sbr.rel @p0 .LBB2_1-.Ltmp1, $4  }
0xa9: {  	[hbm4b:s14+s4] =	stream.linear.scatter [tilespmem:s19], [sflag:$0x2], $0x5000, $0x38;
	[tilespmem:$0x1E400] =	vst v63  }
0xaa: {  	_ =	swait.ge [sflag:s20], $0x5000  }
0xab: {  	[sflag:s20] =	ssyncset.done $0x0  }
0xac: {  	[sflag:s20] =	ssyncadd.s32 $0xFFFFB000  }
0xad: {  	_ =	sfence.sel $0x180000  }
0xae: {  	[bflag:$0x0] =	sbarrier.arrive $0xFFFF  }
0xaf: {  	_ =	strace $0x9000004D  }
0xb0: {  	s0 =	stileid.u32;
	[bflag:$0x2] =	sbarrier.arrive $0xFFFF  }
0xb1: {  	p0 =	sne.s32 s0, $0x0;
	s0 =	rddreg [dreg:$0x3]  }
0xb2: {  	s0 =	sadd.s32 @!p0 $0x100000, s0  }
0xb3: {  	[sflag:s0] =	ssyncadd.tile.s32 @!p0 $0x1;
	_ =	shalt  }
.Lfunc_end2:
_tile_overlayer_lowered:
.L_overlay_start_2:
0xb4: {  	(tag) =	ssettag $0x2  }
0xb5: {  	s0 =	rddreg [dreg:$0x0];
	s2 =	stileid.u32  }
0xb6: {  	s1 =	rddreg [dreg:$0x1];
	p0 =	sne.s32 s2, $0x0  }
0xb7: {  	s3 =	rddreg [dreg:$0x2];
	[bflag:$0x3] =	sbarrier.arrive $0xFFFF;
	s2 =	simm.s32 @!p0 $0x1C02  }
0xb8: {  	[timem:s3], [sflag:s2] =	dma.local @!p0 [hbm:s0], s1  }
0xb9: {  	s0 =	simm.s32 @!p0 $0x2  }
0xba: {  	_ =	swait.ge @!p0 [sflag:s0], s1  }
0xbb: {  	s1 =	ssub.s32 @!p0 $0x0, s1;
	[sflag:s0] =	ssyncset.done @!p0 $0x0  }
0xbc: {  	[sflag:s0] =	ssyncadd.s32 @!p0 s1  }
0xbd: {  	[bflag:$0x3] =	sbarrier.arrive $0xFFFF  }
0xbe: {  	_ =	shalt  }

</sc_bundles>
